<compile_context>
chip_gen: v7x
topology: tpu7x:2x2x1
jax: 0.10.2.dev20260603
libtpu: 0.0.44.dev20260713+nightly
codegen_flags: <defaults>
</compile_context>

<pallas_src>
import jax
import jax.numpy as jnp
from jax import lax
from jax.experimental import pallas as pl
from jax.experimental.pallas import tpu as pltpu
from jax.experimental.pallas import tpu_sc as plsc

CAP = 1000000
XD = 32
YD = 32
B = 16384
POS = 500000
SHIFT = POS % 128
P0 = POS - SHIFT
REG = B + 128

NC = 2
NS = 16
NW = NC * NS
BPW = B // NW
IDX_CHUNK = 128
NIC = BPW // IDX_CHUNK

VAR_CHUNK = 31232
VAR_TAIL = CAP - NW * VAR_CHUNK
VAR_OWNER = POS // VAR_CHUNK
VAR_OFF = POS - VAR_OWNER * VAR_CHUNK
assert VAR_OFF + B <= VAR_CHUNK


def _update_body(xT_ref, yT_ref, xbufT_any, ybufT_any,
                 newxT, newyT, var_ref, oldx, oldy, sem1, sem2):
    cin1 = pltpu.make_async_copy(newxT.at[:, pl.ds(P0, REG)], oldx, sem1)
    cin1.start()
    cin2 = pltpu.make_async_copy(newyT.at[:, pl.ds(P0, REG)], oldy, sem2)
    cin2.start()

    yT = yT_ref[...]
    s1 = jnp.sum(yT, axis=0)
    s2 = jnp.sum(yT * yT, axis=0)
    var_ref[...] = (s2 - s1 * s1 * (1.0 / YD)) * (1.0 / (YD - 1))

    col = P0 + lax.broadcasted_iota(jnp.int32, (XD, REG), 1)
    m = (col >= POS) & (col < POS + B)
    zl = jnp.zeros((XD, SHIFT), jnp.float32)
    zr = jnp.zeros((XD, REG - B - SHIFT), jnp.float32)
    xs = jnp.concatenate([zl, xT_ref[...], zr], axis=1)
    ys = jnp.concatenate([zl, yT, zr], axis=1)

    cin1.wait()
    cin2.wait()
    oldx[...] = jnp.where(m, xs, oldx[...])
    oldy[...] = jnp.where(m, ys, oldy[...])

    cout1 = pltpu.make_async_copy(oldx, newxT.at[:, pl.ds(P0, REG)], sem1)
    cout1.start()
    cout2 = pltpu.make_async_copy(oldy, newyT.at[:, pl.ds(P0, REG)], sem2)
    cout2.start()
    cout1.wait()
    cout2.wait()


def _push_update(xT, yT, xbufT, ybufT):
    return pl.pallas_call(
        _update_body,
        in_specs=[
            pl.BlockSpec(memory_space=pltpu.VMEM),
            pl.BlockSpec(memory_space=pltpu.VMEM),
            pl.BlockSpec(memory_space=pltpu.MemorySpace.HBM),
            pl.BlockSpec(memory_space=pltpu.MemorySpace.HBM),
        ],
        out_specs=[
            pl.BlockSpec(memory_space=pltpu.MemorySpace.HBM),
            pl.BlockSpec(memory_space=pltpu.MemorySpace.HBM),
            pl.BlockSpec(memory_space=pltpu.VMEM),
        ],
        out_shape=[
            jax.ShapeDtypeStruct((XD, CAP), jnp.float32),
            jax.ShapeDtypeStruct((YD, CAP), jnp.float32),
            jax.ShapeDtypeStruct((B,), jnp.float32),
        ],
        scratch_shapes=[
            pltpu.VMEM((XD, REG), jnp.float32),
            pltpu.VMEM((YD, REG), jnp.float32),
            pltpu.SemaphoreType.DMA,
            pltpu.SemaphoreType.DMA,
        ],
        input_output_aliases={2: 0, 3: 1},
    )(xT, yT, xbufT, ybufT)


def _gather_body(newx_hbm, newy_hbm, idx_hbm, varvals_hbm,
                 yvar_hbm, out_hbm, newyvar_hbm, idx_v, gx_v, gy_v,
                 stage_v, tail_v, sem):
    wid = lax.axis_index("s") * NC + lax.axis_index("c")
    base = wid * BPW

    pltpu.sync_copy(idx_hbm.at[pl.ds(base, BPW)], idx_v)

    copies = []
    for k in range(NIC):
        ids = idx_v.at[pl.ds(k * IDX_CHUNK, IDX_CHUNK)]
        dst = pl.ds(k * IDX_CHUNK, IDX_CHUNK)
        copies.append(pltpu.async_copy(newx_hbm.at[ids], gx_v.at[dst, :], sem))
        copies.append(pltpu.async_copy(newy_hbm.at[ids], gy_v.at[dst, :], sem))
    for c in copies:
        c.wait()

    pltpu.sync_copy(gx_v, out_hbm.at[pl.ds(base, BPW), pl.ds(0, XD)])
    pltpu.sync_copy(gy_v, out_hbm.at[pl.ds(base, BPW), pl.ds(XD, YD)])

    vb = wid * VAR_CHUNK
    pltpu.sync_copy(yvar_hbm.at[pl.ds(vb, VAR_CHUNK)], stage_v)

    @pl.when(wid == VAR_OWNER)
    def _():
        pltpu.sync_copy(varvals_hbm, stage_v.at[pl.ds(VAR_OFF, B)])

    pltpu.sync_copy(stage_v, newyvar_hbm.at[pl.ds(vb, VAR_CHUNK)])

    @pl.when(wid == NW - 1)
    def _():
        pltpu.sync_copy(yvar_hbm.at[pl.ds(NW * VAR_CHUNK, VAR_TAIL)], tail_v)
        pltpu.sync_copy(tail_v, newyvar_hbm.at[pl.ds(NW * VAR_CHUNK, VAR_TAIL)])


def _sample_gather(newx, newy, indices, var_vals, y_var_buffer):
    mesh = plsc.VectorSubcoreMesh(core_axis_name="c", subcore_axis_name="s")
    return pl.kernel(
        _gather_body,
        out_type=(
            jax.ShapeDtypeStruct((B, XD + YD), jnp.float32),
            jax.ShapeDtypeStruct((CAP,), jnp.float32),
        ),
        mesh=mesh,
        compiler_params=pltpu.CompilerParams(use_tc_tiling_on_sc=False),
        scratch_types=[
            pltpu.VMEM((BPW,), jnp.int32),
            pltpu.VMEM((BPW, XD), jnp.float32),
            pltpu.VMEM((BPW, YD), jnp.float32),
            pltpu.VMEM((VAR_CHUNK,), jnp.float32),
            pltpu.VMEM((VAR_TAIL,), jnp.float32),
            pltpu.SemaphoreType.DMA,
        ],
    )(newx, newy, indices, var_vals, y_var_buffer)


def kernel(x_buffer, y_buffer, y_var_buffer, x, y, position, indices):
    del position
    newxT, newyT, var_vals = _push_update(x.T, y.T, x_buffer.T, y_buffer.T)
    new_x_buffer = newxT.T
    new_y_buffer = newyT.T
    out, new_y_var_buffer = _sample_gather(
        new_x_buffer, new_y_buffer, indices, var_vals, y_var_buffer)
    return (out, new_x_buffer, new_y_buffer, new_y_var_buffer)

# --- scband reference (transcript-rebuilt; emitter-appended) ---
"""Pipeline reference for scband-replay-buffer-torch-16664473108540 (READ-ONLY COPY).

The authoritative reference and input builder live on the scoring server;
editing this copy changes nothing except your own understanding.
"""

import jax, jax.numpy as jnp
import numpy as np

CAP = 1000000
XD = 32
YD = 32
B = 16384
BS = 16384
POS = 500000


def setup_inputs(seed: int = 0) -> dict:
    key = jax.random.key(seed)
    k1, k2, k3, k4, k5, k6 = jax.random.split(key, 6)
    x_buffer = jax.random.normal(k1, (CAP, XD), dtype=jnp.float32)
    y_buffer = jax.random.normal(k2, (CAP, YD), dtype=jnp.float32)
    y_var_buffer = jax.random.uniform(k3, (CAP,), dtype=jnp.float32)
    x = jax.random.normal(k4, (B, XD), dtype=jnp.float32)
    y = jax.random.normal(k5, (B, YD), dtype=jnp.float32)
    position = POS  # python int (shape=[] int spec)
    indices = jax.random.randint(k6, (BS,), 0, CAP, dtype=jnp.int32)
    return {
        "x_buffer": x_buffer,
        "y_buffer": y_buffer,
        "y_var_buffer": y_var_buffer,
        "x": x,
        "y": y,
        "position": position,
        "indices": indices,
    }


def reference(x_buffer, y_buffer, y_var_buffer, x, y, position, indices):
    # push_batch: scatter-overwrite a contiguous slice of the replay buffers
    new_x_buffer = jax.lax.dynamic_update_slice(x_buffer, x, (position, 0))
    new_y_buffer = jax.lax.dynamic_update_slice(y_buffer, y, (position, 0))
    # per-row unbiased variance (torch .var(1) default unbiased)
    y_var = jnp.var(y.reshape(y.shape[0], -1), axis=1, ddof=1)
    new_y_var_buffer = jax.lax.dynamic_update_slice(y_var_buffer, y_var, (position,))
    # sample: gather rows at random_indices from the updated buffers
    sampled_x = jnp.take(new_x_buffer, indices, axis=0)
    sampled_y = jnp.take(new_y_buffer, indices, axis=0)
    out = jnp.concatenate([sampled_x, sampled_y], axis=1)
    return (out, new_x_buffer, new_y_buffer, new_y_var_buffer)

if __name__ == "__main__":
    import jax
    _d = setup_inputs()
    print(jax.jit(kernel)(*tuple(_d.values())))

</pallas_src>

<mosaic_0001>
#map = affine_map<(d0, d1) -> (0, 0)>
#map1 = affine_map<(d0, d1) -> (0)>
module attributes {stable_mosaic.version = 14 : i64} {
  func.func @_gather_body(%arg0: i32, %arg1: i32, %arg2: memref<1000000x32xf32, #tpu.memory_space<hbm>>, %arg3: memref<1000000x32xf32, #tpu.memory_space<hbm>>, %arg4: memref<16384xi32, #tpu.memory_space<hbm>>, %arg5: memref<16384xf32, #tpu.memory_space<hbm>>, %arg6: memref<1000000xf32, #tpu.memory_space<hbm>>, %arg7: memref<16384x64xf32, #tpu.memory_space<hbm>>, %arg8: memref<1000000xf32, #tpu.memory_space<hbm>>, %arg9: memref<512xi32, #tpu.memory_space<vmem>>, %arg10: memref<512x32xf32, #tpu.memory_space<vmem>>, %arg11: memref<512x32xf32, #tpu.memory_space<vmem>>, %arg12: memref<31232xf32, #tpu.memory_space<vmem>>, %arg13: memref<576xf32, #tpu.memory_space<vmem>>, %arg14: memref<!tpu.dma_semaphore, #tpu.memory_space<semaphore_mem>>) attributes {dimension_semantics = [#tpu.dimension_semantics<core_parallel>, #tpu.dimension_semantics<subcore_parallel>], iteration_bounds = array<i64: 2, 16>, scalar_prefetch = 0 : i64, scratch_operands = 6 : i64, tpu.core_type = #tpu.core_type<sc_vector_subcore>, window_params = [{transform_indices = #map}, {transform_indices = #map}, {transform_indices = #map1}, {transform_indices = #map1}, {transform_indices = #map1}, {transform_indices = #map}, {transform_indices = #map1}]} {
    %mul3A = arith.constant 2 : i32
    %mul3A_0 = arith.muli %arg1, %mul3A : i32
    %add3A = arith.addi %mul3A_0, %arg0 : i32
    %mul3A_1 = arith.constant 512 : i32
    %mul3A_2 = arith.muli %add3A, %mul3A_1 : i32
    "tpu.region"() ({
      %run_scoped3A = tpu.sem_alloc : memref<!tpu.dma_semaphore, #tpu.memory_space<semaphore_mem>>
      %dma_start3A_138 = tpu.memref_slice %arg4[%mul3A_2] : memref<16384xi32, #tpu.memory_space<hbm>> -> memref<512xi32, #tpu.memory_space<hbm>>
      %dma_start3A_139 = tpu.memref_slice %arg4[%mul3A_2] : memref<16384xi32, #tpu.memory_space<hbm>> -> memref<512xi32, #tpu.memory_space<hbm>>
      tpu.enqueue_dma source(%dma_start3A_139 : memref<512xi32, #tpu.memory_space<hbm>>) target(%arg9 : memref<512xi32, #tpu.memory_space<vmem>>) target_semaphore(%run_scoped3A : memref<!tpu.dma_semaphore, #tpu.memory_space<semaphore_mem>>)
      %dma_wait3A_140 = tpu.memref_slice %arg4[%mul3A_2] : memref<16384xi32, #tpu.memory_space<hbm>> -> memref<512xi32, #tpu.memory_space<hbm>>
      %dma_wait3A_141 = tpu.memref_slice %arg4[%mul3A_2] : memref<16384xi32, #tpu.memory_space<hbm>> -> memref<512xi32, #tpu.memory_space<hbm>>
      tpu.wait_dma2 semaphore(%run_scoped3A : memref<!tpu.dma_semaphore, #tpu.memory_space<semaphore_mem>>) src(%dma_wait3A_141 : memref<512xi32, #tpu.memory_space<hbm>>) dst(%arg9 : memref<512xi32, #tpu.memory_space<vmem>>)
      tpu.yield
    }) : () -> ()
    %dma_start3A = arith.constant 0 : i32
    %dma_start3A_3 = arith.constant 0 : i32
    %dma_start3A_4 = tpu.memref_slice %arg10[%dma_start3A, %dma_start3A_3] : memref<512x32xf32, #tpu.memory_space<vmem>> -> memref<128x32xf32, #tpu.memory_space<vmem>>
    %dma_start3A_5 = arith.constant 0 : i32
    %dma_start3A_6 = tpu.memref_slice %arg9[%dma_start3A_5] : memref<512xi32, #tpu.memory_space<vmem>> -> memref<128xi32, #tpu.memory_space<vmem>>
    %dma_start3A_7 = arith.constant 0 : i32
    %dma_start3A_8 = arith.constant 0 : i32
    %dma_start3A_9 = tpu.memref_slice %arg2[%dma_start3A_7, %dma_start3A_8] : memref<1000000x32xf32, #tpu.memory_space<hbm>> -> memref<1000000x32xf32, #tpu.memory_space<hbm>>
    tpu.enqueue_indirect_dma source(%dma_start3A_9 : memref<1000000x32xf32, #tpu.memory_space<hbm>>) target(%dma_start3A_4 : memref<128x32xf32, #tpu.memory_space<vmem>>) offsets(%dma_start3A_6 : memref<128xi32, #tpu.memory_space<vmem>>) semaphore(%arg14 : memref<!tpu.dma_semaphore, #tpu.memory_space<semaphore_mem>>)
    %dma_start3A_10 = arith.constant 0 : i32
    %dma_start3A_11 = arith.constant 0 : i32
    %dma_start3A_12 = tpu.memref_slice %arg11[%dma_start3A_10, %dma_start3A_11] : memref<512x32xf32, #tpu.memory_space<vmem>> -> memref<128x32xf32, #tpu.memory_space<vmem>>
    %dma_start3A_13 = arith.constant 0 : i32
    %dma_start3A_14 = tpu.memref_slice %arg9[%dma_start3A_13] : memref<512xi32, #tpu.memory_space<vmem>> -> memref<128xi32, #tpu.memory_space<vmem>>
    %dma_start3A_15 = arith.constant 0 : i32
    %dma_start3A_16 = arith.constant 0 : i32
    %dma_start3A_17 = tpu.memref_slice %arg3[%dma_start3A_15, %dma_start3A_16] : memref<1000000x32xf32, #tpu.memory_space<hbm>> -> memref<1000000x32xf32, #tpu.memory_space<hbm>>
    tpu.enqueue_indirect_dma source(%dma_start3A_17 : memref<1000000x32xf32, #tpu.memory_space<hbm>>) target(%dma_start3A_12 : memref<128x32xf32, #tpu.memory_space<vmem>>) offsets(%dma_start3A_14 : memref<128xi32, #tpu.memory_space<vmem>>) semaphore(%arg14 : memref<!tpu.dma_semaphore, #tpu.memory_space<semaphore_mem>>)
    %dma_start3A_18 = arith.constant 128 : i32
    %dma_start3A_19 = arith.constant 0 : i32
    %dma_start3A_20 = tpu.memref_slice %arg10[%dma_start3A_18, %dma_start3A_19] : memref<512x32xf32, #tpu.memory_space<vmem>> -> memref<128x32xf32, #tpu.memory_space<vmem>>
    %dma_start3A_21 = arith.constant 128 : i32
    %dma_start3A_22 = tpu.memref_slice %arg9[%dma_start3A_21] : memref<512xi32, #tpu.memory_space<vmem>> -> memref<128xi32, #tpu.memory_space<vmem>>
    %dma_start3A_23 = arith.constant 0 : i32
    %dma_start3A_24 = arith.constant 0 : i32
    %dma_start3A_25 = tpu.memref_slice %arg2[%dma_start3A_23, %dma_start3A_24] : memref<1000000x32xf32, #tpu.memory_space<hbm>> -> memref<1000000x32xf32, #tpu.memory_space<hbm>>
    tpu.enqueue_indirect_dma source(%dma_start3A_25 : memref<1000000x32xf32, #tpu.memory_space<hbm>>) target(%dma_start3A_20 : memref<128x32xf32, #tpu.memory_space<vmem>>) offsets(%dma_start3A_22 : memref<128xi32, #tpu.memory_space<vmem>>) semaphore(%arg14 : memref<!tpu.dma_semaphore, #tpu.memory_space<semaphore_mem>>)
    %dma_start3A_26 = arith.constant 128 : i32
    %dma_start3A_27 = arith.constant 0 : i32
    %dma_start3A_28 = tpu.memref_slice %arg11[%dma_start3A_26, %dma_start3A_27] : memref<512x32xf32, #tpu.memory_space<vmem>> -> memref<128x32xf32, #tpu.memory_space<vmem>>
    %dma_start3A_29 = arith.constant 128 : i32
    %dma_start3A_30 = tpu.memref_slice %arg9[%dma_start3A_29] : memref<512xi32, #tpu.memory_space<vmem>> -> memref<128xi32, #tpu.memory_space<vmem>>
    %dma_start3A_31 = arith.constant 0 : i32
    %dma_start3A_32 = arith.constant 0 : i32
    %dma_start3A_33 = tpu.memref_slice %arg3[%dma_start3A_31, %dma_start3A_32] : memref<1000000x32xf32, #tpu.memory_space<hbm>> -> memref<1000000x32xf32, #tpu.memory_space<hbm>>
    tpu.enqueue_indirect_dma source(%dma_start3A_33 : memref<1000000x32xf32, #tpu.memory_space<hbm>>) target(%dma_start3A_28 : memref<128x32xf32, #tpu.memory_space<vmem>>) offsets(%dma_start3A_30 : memref<128xi32, #tpu.memory_space<vmem>>) semaphore(%arg14 : memref<!tpu.dma_semaphore, #tpu.memory_space<semaphore_mem>>)
    %dma_start3A_34 = arith.constant 256 : i32
    %dma_start3A_35 = arith.constant 0 : i32
    %dma_start3A_36 = tpu.memref_slice %arg10[%dma_start3A_34, %dma_start3A_35] : memref<512x32xf32, #tpu.memory_space<vmem>> -> memref<128x32xf32, #tpu.memory_space<vmem>>
    %dma_start3A_37 = arith.constant 256 : i32
    %dma_start3A_38 = tpu.memref_slice %arg9[%dma_start3A_37] : memref<512xi32, #tpu.memory_space<vmem>> -> memref<128xi32, #tpu.memory_space<vmem>>
    %dma_start3A_39 = arith.constant 0 : i32
    %dma_start3A_40 = arith.constant 0 : i32
    %dma_start3A_41 = tpu.memref_slice %arg2[%dma_start3A_39, %dma_start3A_40] : memref<1000000x32xf32, #tpu.memory_space<hbm>> -> memref<1000000x32xf32, #tpu.memory_space<hbm>>
    tpu.enqueue_indirect_dma source(%dma_start3A_41 : memref<1000000x32xf32, #tpu.memory_space<hbm>>) target(%dma_start3A_36 : memref<128x32xf32, #tpu.memory_space<vmem>>) offsets(%dma_start3A_38 : memref<128xi32, #tpu.memory_space<vmem>>) semaphore(%arg14 : memref<!tpu.dma_semaphore, #tpu.memory_space<semaphore_mem>>)
    %dma_start3A_42 = arith.constant 256 : i32
    %dma_start3A_43 = arith.constant 0 : i32
    %dma_start3A_44 = tpu.memref_slice %arg11[%dma_start3A_42, %dma_start3A_43] : memref<512x32xf32, #tpu.memory_space<vmem>> -> memref<128x32xf32, #tpu.memory_space<vmem>>
    %dma_start3A_45 = arith.constant 256 : i32
    %dma_start3A_46 = tpu.memref_slice %arg9[%dma_start3A_45] : memref<512xi32, #tpu.memory_space<vmem>> -> memref<128xi32, #tpu.memory_space<vmem>>
    %dma_start3A_47 = arith.constant 0 : i32
    %dma_start3A_48 = arith.constant 0 : i32
    %dma_start3A_49 = tpu.memref_slice %arg3[%dma_start3A_47, %dma_start3A_48] : memref<1000000x32xf32, #tpu.memory_space<hbm>> -> memref<1000000x32xf32, #tpu.memory_space<hbm>>
    tpu.enqueue_indirect_dma source(%dma_start3A_49 : memref<1000000x32xf32, #tpu.memory_space<hbm>>) target(%dma_start3A_44 : memref<128x32xf32, #tpu.memory_space<vmem>>) offsets(%dma_start3A_46 : memref<128xi32, #tpu.memory_space<vmem>>) semaphore(%arg14 : memref<!tpu.dma_semaphore, #tpu.memory_space<semaphore_mem>>)
    %dma_start3A_50 = arith.constant 384 : i32
    %dma_start3A_51 = arith.constant 0 : i32
    %dma_start3A_52 = tpu.memref_slice %arg10[%dma_start3A_50, %dma_start3A_51] : memref<512x32xf32, #tpu.memory_space<vmem>> -> memref<128x32xf32, #tpu.memory_space<vmem>>
    %dma_start3A_53 = arith.constant 384 : i32
    %dma_start3A_54 = tpu.memref_slice %arg9[%dma_start3A_53] : memref<512xi32, #tpu.memory_space<vmem>> -> memref<128xi32, #tpu.memory_space<vmem>>
    %dma_start3A_55 = arith.constant 0 : i32
    %dma_start3A_56 = arith.constant 0 : i32
    %dma_start3A_57 = tpu.memref_slice %arg2[%dma_start3A_55, %dma_start3A_56] : memref<1000000x32xf32, #tpu.memory_space<hbm>> -> memref<1000000x32xf32, #tpu.memory_space<hbm>>
    tpu.enqueue_indirect_dma source(%dma_start3A_57 : memref<1000000x32xf32, #tpu.memory_space<hbm>>) target(%dma_start3A_52 : memref<128x32xf32, #tpu.memory_space<vmem>>) offsets(%dma_start3A_54 : memref<128xi32, #tpu.memory_space<vmem>>) semaphore(%arg14 : memref<!tpu.dma_semaphore, #tpu.memory_space<semaphore_mem>>)
    %dma_start3A_58 = arith.constant 384 : i32
    %dma_start3A_59 = arith.constant 0 : i32
    %dma_start3A_60 = tpu.memref_slice %arg11[%dma_start3A_58, %dma_start3A_59] : memref<512x32xf32, #tpu.memory_space<vmem>> -> memref<128x32xf32, #tpu.memory_space<vmem>>
    %dma_start3A_61 = arith.constant 384 : i32
    %dma_start3A_62 = tpu.memref_slice %arg9[%dma_start3A_61] : memref<512xi32, #tpu.memory_space<vmem>> -> memref<128xi32, #tpu.memory_space<vmem>>
    %dma_start3A_63 = arith.constant 0 : i32
    %dma_start3A_64 = arith.constant 0 : i32
    %dma_start3A_65 = tpu.memref_slice %arg3[%dma_start3A_63, %dma_start3A_64] : memref<1000000x32xf32, #tpu.memory_space<hbm>> -> memref<1000000x32xf32, #tpu.memory_space<hbm>>
    tpu.enqueue_indirect_dma source(%dma_start3A_65 : memref<1000000x32xf32, #tpu.memory_space<hbm>>) target(%dma_start3A_60 : memref<128x32xf32, #tpu.memory_space<vmem>>) offsets(%dma_start3A_62 : memref<128xi32, #tpu.memory_space<vmem>>) semaphore(%arg14 : memref<!tpu.dma_semaphore, #tpu.memory_space<semaphore_mem>>)
    %dma_wait3A = arith.constant 0 : i32
    %dma_wait3A_66 = arith.constant 0 : i32
    %dma_wait3A_67 = tpu.memref_slice %arg10[%dma_wait3A, %dma_wait3A_66] : memref<512x32xf32, #tpu.memory_space<vmem>> -> memref<128x32xf32, #tpu.memory_space<vmem>>
    %dma_wait3A_68 = arith.constant 0 : i32
    %dma_wait3A_69 = tpu.memref_slice %arg9[%dma_wait3A_68] : memref<512xi32, #tpu.memory_space<vmem>> -> memref<128xi32, #tpu.memory_space<vmem>>
    %dma_wait3A_70 = arith.constant 0 : i32
    %dma_wait3A_71 = arith.constant 0 : i32
    %dma_wait3A_72 = tpu.memref_slice %arg2[%dma_wait3A_70, %dma_wait3A_71] : memref<1000000x32xf32, #tpu.memory_space<hbm>> -> memref<1000000x32xf32, #tpu.memory_space<hbm>>
    tpu.wait_indirect_dma semaphore(%arg14 : memref<!tpu.dma_semaphore, #tpu.memory_space<semaphore_mem>>) src(%dma_wait3A_72 : memref<1000000x32xf32, #tpu.memory_space<hbm>>) dst(%dma_wait3A_67 : memref<128x32xf32, #tpu.memory_space<vmem>>)
    %dma_wait3A_73 = arith.constant 0 : i32
    %dma_wait3A_74 = arith.constant 0 : i32
    %dma_wait3A_75 = tpu.memref_slice %arg11[%dma_wait3A_73, %dma_wait3A_74] : memref<512x32xf32, #tpu.memory_space<vmem>> -> memref<128x32xf32, #tpu.memory_space<vmem>>
    %dma_wait3A_76 = arith.constant 0 : i32
    %dma_wait3A_77 = tpu.memref_slice %arg9[%dma_wait3A_76] : memref<512xi32, #tpu.memory_space<vmem>> -> memref<128xi32, #tpu.memory_space<vmem>>
    %dma_wait3A_78 = arith.constant 0 : i32
    %dma_wait3A_79 = arith.constant 0 : i32
    %dma_wait3A_80 = tpu.memref_slice %arg3[%dma_wait3A_78, %dma_wait3A_79] : memref<1000000x32xf32, #tpu.memory_space<hbm>> -> memref<1000000x32xf32, #tpu.memory_space<hbm>>
    tpu.wait_indirect_dma semaphore(%arg14 : memref<!tpu.dma_semaphore, #tpu.memory_space<semaphore_mem>>) src(%dma_wait3A_80 : memref<1000000x32xf32, #tpu.memory_space<hbm>>) dst(%dma_wait3A_75 : memref<128x32xf32, #tpu.memory_space<vmem>>)
    %dma_wait3A_81 = arith.constant 128 : i32
    %dma_wait3A_82 = arith.constant 0 : i32
    %dma_wait3A_83 = tpu.memref_slice %arg10[%dma_wait3A_81, %dma_wait3A_82] : memref<512x32xf32, #tpu.memory_space<vmem>> -> memref<128x32xf32, #tpu.memory_space<vmem>>
    %dma_wait3A_84 = arith.constant 128 : i32
    %dma_wait3A_85 = tpu.memref_slice %arg9[%dma_wait3A_84] : memref<512xi32, #tpu.memory_space<vmem>> -> memref<128xi32, #tpu.memory_space<vmem>>
    %dma_wait3A_86 = arith.constant 0 : i32
    %dma_wait3A_87 = arith.constant 0 : i32
    %dma_wait3A_88 = tpu.memref_slice %arg2[%dma_wait3A_86, %dma_wait3A_87] : memref<1000000x32xf32, #tpu.memory_space<hbm>> -> memref<1000000x32xf32, #tpu.memory_space<hbm>>
    tpu.wait_indirect_dma semaphore(%arg14 : memref<!tpu.dma_semaphore, #tpu.memory_space<semaphore_mem>>) src(%dma_wait3A_88 : memref<1000000x32xf32, #tpu.memory_space<hbm>>) dst(%dma_wait3A_83 : memref<128x32xf32, #tpu.memory_space<vmem>>)
    %dma_wait3A_89 = arith.constant 128 : i32
    %dma_wait3A_90 = arith.constant 0 : i32
    %dma_wait3A_91 = tpu.memref_slice %arg11[%dma_wait3A_89, %dma_wait3A_90] : memref<512x32xf32, #tpu.memory_space<vmem>> -> memref<128x32xf32, #tpu.memory_space<vmem>>
    %dma_wait3A_92 = arith.constant 128 : i32
    %dma_wait3A_93 = tpu.memref_slice %arg9[%dma_wait3A_92] : memref<512xi32, #tpu.memory_space<vmem>> -> memref<128xi32, #tpu.memory_space<vmem>>
    %dma_wait3A_94 = arith.constant 0 : i32
    %dma_wait3A_95 = arith.constant 0 : i32
    %dma_wait3A_96 = tpu.memref_slice %arg3[%dma_wait3A_94, %dma_wait3A_95] : memref<1000000x32xf32, #tpu.memory_space<hbm>> -> memref<1000000x32xf32, #tpu.memory_space<hbm>>
    tpu.wait_indirect_dma semaphore(%arg14 : memref<!tpu.dma_semaphore, #tpu.memory_space<semaphore_mem>>) src(%dma_wait3A_96 : memref<1000000x32xf32, #tpu.memory_space<hbm>>) dst(%dma_wait3A_91 : memref<128x32xf32, #tpu.memory_space<vmem>>)
    %dma_wait3A_97 = arith.constant 256 : i32
    %dma_wait3A_98 = arith.constant 0 : i32
    %dma_wait3A_99 = tpu.memref_slice %arg10[%dma_wait3A_97, %dma_wait3A_98] : memref<512x32xf32, #tpu.memory_space<vmem>> -> memref<128x32xf32, #tpu.memory_space<vmem>>
    %dma_wait3A_100 = arith.constant 256 : i32
    %dma_wait3A_101 = tpu.memref_slice %arg9[%dma_wait3A_100] : memref<512xi32, #tpu.memory_space<vmem>> -> memref<128xi32, #tpu.memory_space<vmem>>
    %dma_wait3A_102 = arith.constant 0 : i32
    %dma_wait3A_103 = arith.constant 0 : i32
    %dma_wait3A_104 = tpu.memref_slice %arg2[%dma_wait3A_102, %dma_wait3A_103] : memref<1000000x32xf32, #tpu.memory_space<hbm>> -> memref<1000000x32xf32, #tpu.memory_space<hbm>>
    tpu.wait_indirect_dma semaphore(%arg14 : memref<!tpu.dma_semaphore, #tpu.memory_space<semaphore_mem>>) src(%dma_wait3A_104 : memref<1000000x32xf32, #tpu.memory_space<hbm>>) dst(%dma_wait3A_99 : memref<128x32xf32, #tpu.memory_space<vmem>>)
    %dma_wait3A_105 = arith.constant 256 : i32
    %dma_wait3A_106 = arith.constant 0 : i32
    %dma_wait3A_107 = tpu.memref_slice %arg11[%dma_wait3A_105, %dma_wait3A_106] : memref<512x32xf32, #tpu.memory_space<vmem>> -> memref<128x32xf32, #tpu.memory_space<vmem>>
    %dma_wait3A_108 = arith.constant 256 : i32
    %dma_wait3A_109 = tpu.memref_slice %arg9[%dma_wait3A_108] : memref<512xi32, #tpu.memory_space<vmem>> -> memref<128xi32, #tpu.memory_space<vmem>>
    %dma_wait3A_110 = arith.constant 0 : i32
    %dma_wait3A_111 = arith.constant 0 : i32
    %dma_wait3A_112 = tpu.memref_slice %arg3[%dma_wait3A_110, %dma_wait3A_111] : memref<1000000x32xf32, #tpu.memory_space<hbm>> -> memref<1000000x32xf32, #tpu.memory_space<hbm>>
    tpu.wait_indirect_dma semaphore(%arg14 : memref<!tpu.dma_semaphore, #tpu.memory_space<semaphore_mem>>) src(%dma_wait3A_112 : memref<1000000x32xf32, #tpu.memory_space<hbm>>) dst(%dma_wait3A_107 : memref<128x32xf32, #tpu.memory_space<vmem>>)
    %dma_wait3A_113 = arith.constant 384 : i32
    %dma_wait3A_114 = arith.constant 0 : i32
    %dma_wait3A_115 = tpu.memref_slice %arg10[%dma_wait3A_113, %dma_wait3A_114] : memref<512x32xf32, #tpu.memory_space<vmem>> -> memref<128x32xf32, #tpu.memory_space<vmem>>
    %dma_wait3A_116 = arith.constant 384 : i32
    %dma_wait3A_117 = tpu.memref_slice %arg9[%dma_wait3A_116] : memref<512xi32, #tpu.memory_space<vmem>> -> memref<128xi32, #tpu.memory_space<vmem>>
    %dma_wait3A_118 = arith.constant 0 : i32
    %dma_wait3A_119 = arith.constant 0 : i32
    %dma_wait3A_120 = tpu.memref_slice %arg2[%dma_wait3A_118, %dma_wait3A_119] : memref<1000000x32xf32, #tpu.memory_space<hbm>> -> memref<1000000x32xf32, #tpu.memory_space<hbm>>
    tpu.wait_indirect_dma semaphore(%arg14 : memref<!tpu.dma_semaphore, #tpu.memory_space<semaphore_mem>>) src(%dma_wait3A_120 : memref<1000000x32xf32, #tpu.memory_space<hbm>>) dst(%dma_wait3A_115 : memref<128x32xf32, #tpu.memory_space<vmem>>)
    %dma_wait3A_121 = arith.constant 384 : i32
    %dma_wait3A_122 = arith.constant 0 : i32
    %dma_wait3A_123 = tpu.memref_slice %arg11[%dma_wait3A_121, %dma_wait3A_122] : memref<512x32xf32, #tpu.memory_space<vmem>> -> memref<128x32xf32, #tpu.memory_space<vmem>>
    %dma_wait3A_124 = arith.constant 384 : i32
    %dma_wait3A_125 = tpu.memref_slice %arg9[%dma_wait3A_124] : memref<512xi32, #tpu.memory_space<vmem>> -> memref<128xi32, #tpu.memory_space<vmem>>
    %dma_wait3A_126 = arith.constant 0 : i32
    %dma_wait3A_127 = arith.constant 0 : i32
    %dma_wait3A_128 = tpu.memref_slice %arg3[%dma_wait3A_126, %dma_wait3A_127] : memref<1000000x32xf32, #tpu.memory_space<hbm>> -> memref<1000000x32xf32, #tpu.memory_space<hbm>>
    tpu.wait_indirect_dma semaphore(%arg14 : memref<!tpu.dma_semaphore, #tpu.memory_space<semaphore_mem>>) src(%dma_wait3A_128 : memref<1000000x32xf32, #tpu.memory_space<hbm>>) dst(%dma_wait3A_123 : memref<128x32xf32, #tpu.memory_space<vmem>>)
    "tpu.region"() ({
      %run_scoped3A = tpu.sem_alloc : memref<!tpu.dma_semaphore, #tpu.memory_space<semaphore_mem>>
      %dma_start3A_138 = arith.constant 0 : i32
      %dma_start3A_139 = tpu.memref_slice %arg7[%mul3A_2, %dma_start3A_138] : memref<16384x64xf32, #tpu.memory_space<hbm>> -> memref<512x32xf32, #tpu.memory_space<hbm>>
      %dma_start3A_140 = arith.constant 0 : i32
      %dma_start3A_141 = tpu.memref_slice %arg7[%mul3A_2, %dma_start3A_140] : memref<16384x64xf32, #tpu.memory_space<hbm>> -> memref<512x32xf32, #tpu.memory_space<hbm>>
      tpu.enqueue_dma source(%arg10 : memref<512x32xf32, #tpu.memory_space<vmem>>) target(%dma_start3A_141 : memref<512x32xf32, #tpu.memory_space<hbm>>) target_semaphore(%run_scoped3A : memref<!tpu.dma_semaphore, #tpu.memory_space<semaphore_mem>>)
      %dma_wait3A_142 = arith.constant 0 : i32
      %dma_wait3A_143 = tpu.memref_slice %arg7[%mul3A_2, %dma_wait3A_142] : memref<16384x64xf32, #tpu.memory_space<hbm>> -> memref<512x32xf32, #tpu.memory_space<hbm>>
      %dma_wait3A_144 = arith.constant 0 : i32
      %dma_wait3A_145 = tpu.memref_slice %arg7[%mul3A_2, %dma_wait3A_144] : memref<16384x64xf32, #tpu.memory_space<hbm>> -> memref<512x32xf32, #tpu.memory_space<hbm>>
      tpu.wait_dma2 semaphore(%run_scoped3A : memref<!tpu.dma_semaphore, #tpu.memory_space<semaphore_mem>>) src(%arg10 : memref<512x32xf32, #tpu.memory_space<vmem>>) dst(%dma_wait3A_145 : memref<512x32xf32, #tpu.memory_space<hbm>>)
      tpu.yield
    }) : () -> ()
    "tpu.region"() ({
      %run_scoped3A = tpu.sem_alloc : memref<!tpu.dma_semaphore, #tpu.memory_space<semaphore_mem>>
      %dma_start3A_138 = arith.constant 32 : i32
      %dma_start3A_139 = tpu.memref_slice %arg7[%mul3A_2, %dma_start3A_138] : memref<16384x64xf32, #tpu.memory_space<hbm>> -> memref<512x32xf32, #tpu.memory_space<hbm>>
      %dma_start3A_140 = arith.constant 32 : i32
      %dma_start3A_141 = tpu.memref_slice %arg7[%mul3A_2, %dma_start3A_140] : memref<16384x64xf32, #tpu.memory_space<hbm>> -> memref<512x32xf32, #tpu.memory_space<hbm>>
      tpu.enqueue_dma source(%arg11 : memref<512x32xf32, #tpu.memory_space<vmem>>) target(%dma_start3A_141 : memref<512x32xf32, #tpu.memory_space<hbm>>) target_semaphore(%run_scoped3A : memref<!tpu.dma_semaphore, #tpu.memory_space<semaphore_mem>>)
      %dma_wait3A_142 = arith.constant 32 : i32
      %dma_wait3A_143 = tpu.memref_slice %arg7[%mul3A_2, %dma_wait3A_142] : memref<16384x64xf32, #tpu.memory_space<hbm>> -> memref<512x32xf32, #tpu.memory_space<hbm>>
      %dma_wait3A_144 = arith.constant 32 : i32
      %dma_wait3A_145 = tpu.memref_slice %arg7[%mul3A_2, %dma_wait3A_144] : memref<16384x64xf32, #tpu.memory_space<hbm>> -> memref<512x32xf32, #tpu.memory_space<hbm>>
      tpu.wait_dma2 semaphore(%run_scoped3A : memref<!tpu.dma_semaphore, #tpu.memory_space<semaphore_mem>>) src(%arg11 : memref<512x32xf32, #tpu.memory_space<vmem>>) dst(%dma_wait3A_145 : memref<512x32xf32, #tpu.memory_space<hbm>>)
      tpu.yield
    }) : () -> ()
    %mul3A_129 = arith.constant 31232 : i32
    %mul3A_130 = arith.muli %add3A, %mul3A_129 : i32
    "tpu.region"() ({
      %run_scoped3A = tpu.sem_alloc : memref<!tpu.dma_semaphore, #tpu.memory_space<semaphore_mem>>
      %dma_start3A_138 = tpu.memref_slice %arg6[%mul3A_130] : memref<1000000xf32, #tpu.memory_space<hbm>> -> memref<31232xf32, #tpu.memory_space<hbm>>
      %dma_start3A_139 = tpu.memref_slice %arg6[%mul3A_130] : memref<1000000xf32, #tpu.memory_space<hbm>> -> memref<31232xf32, #tpu.memory_space<hbm>>
      tpu.enqueue_dma source(%dma_start3A_139 : memref<31232xf32, #tpu.memory_space<hbm>>) target(%arg12 : memref<31232xf32, #tpu.memory_space<vmem>>) target_semaphore(%run_scoped3A : memref<!tpu.dma_semaphore, #tpu.memory_space<semaphore_mem>>)
      %dma_wait3A_140 = tpu.memref_slice %arg6[%mul3A_130] : memref<1000000xf32, #tpu.memory_space<hbm>> -> memref<31232xf32, #tpu.memory_space<hbm>>
      %dma_wait3A_141 = tpu.memref_slice %arg6[%mul3A_130] : memref<1000000xf32, #tpu.memory_space<hbm>> -> memref<31232xf32, #tpu.memory_space<hbm>>
      tpu.wait_dma2 semaphore(%run_scoped3A : memref<!tpu.dma_semaphore, #tpu.memory_space<semaphore_mem>>) src(%dma_wait3A_141 : memref<31232xf32, #tpu.memory_space<hbm>>) dst(%arg12 : memref<31232xf32, #tpu.memory_space<vmem>>)
      tpu.yield
    }) : () -> ()
    %eq3A = arith.constant 16 : i32
    %eq3A_131 = arith.cmpi eq, %add3A, %eq3A : i32
    %convert_element_type3A = arith.extui %eq3A_131 : i1 to i32
    %cond3A = arith.constant 0 : i32
    %cond3A_132 = arith.cmpi ne, %convert_element_type3A, %cond3A : i32
    scf.if %cond3A_132 {
      "tpu.region"() ({
        %run_scoped3A = tpu.sem_alloc : memref<!tpu.dma_semaphore, #tpu.memory_space<semaphore_mem>>
        %dma_start3A_138 = arith.constant 288 : i32
        %dma_start3A_139 = tpu.memref_slice %arg12[%dma_start3A_138] : memref<31232xf32, #tpu.memory_space<vmem>> -> memref<16384xf32, #tpu.memory_space<vmem>>
        %dma_start3A_140 = arith.constant 288 : i32
        %dma_start3A_141 = tpu.memref_slice %arg12[%dma_start3A_140] : memref<31232xf32, #tpu.memory_space<vmem>> -> memref<16384xf32, #tpu.memory_space<vmem>>
        tpu.enqueue_dma source(%arg5 : memref<16384xf32, #tpu.memory_space<hbm>>) target(%dma_start3A_141 : memref<16384xf32, #tpu.memory_space<vmem>>) target_semaphore(%run_scoped3A : memref<!tpu.dma_semaphore, #tpu.memory_space<semaphore_mem>>)
        %dma_wait3A_142 = arith.constant 288 : i32
        %dma_wait3A_143 = tpu.memref_slice %arg12[%dma_wait3A_142] : memref<31232xf32, #tpu.memory_space<vmem>> -> memref<16384xf32, #tpu.memory_space<vmem>>
        %dma_wait3A_144 = arith.constant 288 : i32
        %dma_wait3A_145 = tpu.memref_slice %arg12[%dma_wait3A_144] : memref<31232xf32, #tpu.memory_space<vmem>> -> memref<16384xf32, #tpu.memory_space<vmem>>
        tpu.wait_dma2 semaphore(%run_scoped3A : memref<!tpu.dma_semaphore, #tpu.memory_space<semaphore_mem>>) src(%arg5 : memref<16384xf32, #tpu.memory_space<hbm>>) dst(%dma_wait3A_145 : memref<16384xf32, #tpu.memory_space<vmem>>)
        tpu.yield
      }) : () -> ()
    } else {
    }
    "tpu.region"() ({
      %run_scoped3A = tpu.sem_alloc : memref<!tpu.dma_semaphore, #tpu.memory_space<semaphore_mem>>
      %dma_start3A_138 = tpu.memref_slice %arg8[%mul3A_130] : memref<1000000xf32, #tpu.memory_space<hbm>> -> memref<31232xf32, #tpu.memory_space<hbm>>
      %dma_start3A_139 = tpu.memref_slice %arg8[%mul3A_130] : memref<1000000xf32, #tpu.memory_space<hbm>> -> memref<31232xf32, #tpu.memory_space<hbm>>
      tpu.enqueue_dma source(%arg12 : memref<31232xf32, #tpu.memory_space<vmem>>) target(%dma_start3A_139 : memref<31232xf32, #tpu.memory_space<hbm>>) target_semaphore(%run_scoped3A : memref<!tpu.dma_semaphore, #tpu.memory_space<semaphore_mem>>)
      %dma_wait3A_140 = tpu.memref_slice %arg8[%mul3A_130] : memref<1000000xf32, #tpu.memory_space<hbm>> -> memref<31232xf32, #tpu.memory_space<hbm>>
      %dma_wait3A_141 = tpu.memref_slice %arg8[%mul3A_130] : memref<1000000xf32, #tpu.memory_space<hbm>> -> memref<31232xf32, #tpu.memory_space<hbm>>
      tpu.wait_dma2 semaphore(%run_scoped3A : memref<!tpu.dma_semaphore, #tpu.memory_space<semaphore_mem>>) src(%arg12 : memref<31232xf32, #tpu.memory_space<vmem>>) dst(%dma_wait3A_141 : memref<31232xf32, #tpu.memory_space<hbm>>)
      tpu.yield
    }) : () -> ()
    %eq3A_133 = arith.constant 31 : i32
    %eq3A_134 = arith.cmpi eq, %add3A, %eq3A_133 : i32
    %convert_element_type3A_135 = arith.extui %eq3A_134 : i1 to i32
    %cond3A_136 = arith.constant 0 : i32
    %cond3A_137 = arith.cmpi ne, %convert_element_type3A_135, %cond3A_136 : i32
    scf.if %cond3A_137 {
      "tpu.region"() ({
        %run_scoped3A = tpu.sem_alloc : memref<!tpu.dma_semaphore, #tpu.memory_space<semaphore_mem>>
        %dma_start3A_138 = arith.constant 999424 : i32
        %dma_start3A_139 = tpu.memref_slice %arg6[%dma_start3A_138] : memref<1000000xf32, #tpu.memory_space<hbm>> -> memref<576xf32, #tpu.memory_space<hbm>>
        %dma_start3A_140 = arith.constant 999424 : i32
        %dma_start3A_141 = tpu.memref_slice %arg6[%dma_start3A_140] : memref<1000000xf32, #tpu.memory_space<hbm>> -> memref<576xf32, #tpu.memory_space<hbm>>
        tpu.enqueue_dma source(%dma_start3A_141 : memref<576xf32, #tpu.memory_space<hbm>>) target(%arg13 : memref<576xf32, #tpu.memory_space<vmem>>) target_semaphore(%run_scoped3A : memref<!tpu.dma_semaphore, #tpu.memory_space<semaphore_mem>>)
        %dma_wait3A_142 = arith.constant 999424 : i32
        %dma_wait3A_143 = tpu.memref_slice %arg6[%dma_wait3A_142] : memref<1000000xf32, #tpu.memory_space<hbm>> -> memref<576xf32, #tpu.memory_space<hbm>>
        %dma_wait3A_144 = arith.constant 999424 : i32
        %dma_wait3A_145 = tpu.memref_slice %arg6[%dma_wait3A_144] : memref<1000000xf32, #tpu.memory_space<hbm>> -> memref<576xf32, #tpu.memory_space<hbm>>
        tpu.wait_dma2 semaphore(%run_scoped3A : memref<!tpu.dma_semaphore, #tpu.memory_space<semaphore_mem>>) src(%dma_wait3A_145 : memref<576xf32, #tpu.memory_space<hbm>>) dst(%arg13 : memref<576xf32, #tpu.memory_space<vmem>>)
        tpu.yield
      }) : () -> ()
      "tpu.region"() ({
        %run_scoped3A = tpu.sem_alloc : memref<!tpu.dma_semaphore, #tpu.memory_space<semaphore_mem>>
        %dma_start3A_138 = arith.constant 999424 : i32
        %dma_start3A_139 = tpu.memref_slice %arg8[%dma_start3A_138] : memref<1000000xf32, #tpu.memory_space<hbm>> -> memref<576xf32, #tpu.memory_space<hbm>>
        %dma_start3A_140 = arith.constant 999424 : i32
        %dma_start3A_141 = tpu.memref_slice %arg8[%dma_start3A_140] : memref<1000000xf32, #tpu.memory_space<hbm>> -> memref<576xf32, #tpu.memory_space<hbm>>
        tpu.enqueue_dma source(%arg13 : memref<576xf32, #tpu.memory_space<vmem>>) target(%dma_start3A_141 : memref<576xf32, #tpu.memory_space<hbm>>) target_semaphore(%run_scoped3A : memref<!tpu.dma_semaphore, #tpu.memory_space<semaphore_mem>>)
        %dma_wait3A_142 = arith.constant 999424 : i32
        %dma_wait3A_143 = tpu.memref_slice %arg8[%dma_wait3A_142] : memref<1000000xf32, #tpu.memory_space<hbm>> -> memref<576xf32, #tpu.memory_space<hbm>>
        %dma_wait3A_144 = arith.constant 999424 : i32
        %dma_wait3A_145 = tpu.memref_slice %arg8[%dma_wait3A_144] : memref<1000000xf32, #tpu.memory_space<hbm>> -> memref<576xf32, #tpu.memory_space<hbm>>
        tpu.wait_dma2 semaphore(%run_scoped3A : memref<!tpu.dma_semaphore, #tpu.memory_space<semaphore_mem>>) src(%arg13 : memref<576xf32, #tpu.memory_space<vmem>>) dst(%dma_wait3A_145 : memref<576xf32, #tpu.memory_space<hbm>>)
        tpu.yield
      }) : () -> ()
    } else {
    }
    return
  }
}

module attributes {stable_mosaic.version = 14 : i64} {
  func.func @_update_body(%arg0: memref<32x16384xf32, #tpu.memory_space<vmem>>, %arg1: memref<32x16384xf32, #tpu.memory_space<vmem>>, %arg2: memref<32x1000000xf32, #tpu.memory_space<hbm>>, %arg3: memref<32x1000000xf32, #tpu.memory_space<hbm>>, %arg4: memref<32x1000000xf32, #tpu.memory_space<hbm>>, %arg5: memref<32x1000000xf32, #tpu.memory_space<hbm>>, %arg6: memref<16384xf32, #tpu.memory_space<vmem>>, %arg7: memref<32x16512xf32, #tpu.memory_space<vmem>>, %arg8: memref<32x16512xf32, #tpu.memory_space<vmem>>, %arg9: memref<!tpu.dma_semaphore, #tpu.memory_space<semaphore_mem>>, %arg10: memref<!tpu.dma_semaphore, #tpu.memory_space<semaphore_mem>>) attributes {dimension_semantics = [], scalar_prefetch = 0 : i64, scratch_operands = 4 : i64, tpu.core_type = #tpu.core_type<tc>} {
    %dma_start3A = arith.constant 0 : i32
    %dma_start3A_0 = arith.constant 499968 : i32
    %dma_start3A_1 = tpu.memref_slice %arg4[%dma_start3A, %dma_start3A_0] : memref<32x1000000xf32, #tpu.memory_space<hbm>> -> memref<32x16512xf32, #tpu.memory_space<hbm>>
    tpu.enqueue_dma source(%dma_start3A_1 : memref<32x16512xf32, #tpu.memory_space<hbm>>) target(%arg7 : memref<32x16512xf32, #tpu.memory_space<vmem>>) target_semaphore(%arg9 : memref<!tpu.dma_semaphore, #tpu.memory_space<semaphore_mem>>)
    %dma_start3A_2 = arith.constant 0 : i32
    %dma_start3A_3 = arith.constant 499968 : i32
    %dma_start3A_4 = tpu.memref_slice %arg5[%dma_start3A_2, %dma_start3A_3] : memref<32x1000000xf32, #tpu.memory_space<hbm>> -> memref<32x16512xf32, #tpu.memory_space<hbm>>
    tpu.enqueue_dma source(%dma_start3A_4 : memref<32x16512xf32, #tpu.memory_space<hbm>>) target(%arg8 : memref<32x16512xf32, #tpu.memory_space<vmem>>) target_semaphore(%arg10 : memref<!tpu.dma_semaphore, #tpu.memory_space<semaphore_mem>>)
    %get3A = arith.constant 0 : index
    %get3A_5 = arith.constant 0 : index
    %get3A_6 = vector.load %arg1[%get3A, %get3A_5] : memref<32x16384xf32, #tpu.memory_space<vmem>>, vector<32x16384xf32>
    %reduce_sum3A = arith.constant dense<0.000000e+00> : vector<16384xf32>
    %reduce_sum3A_7 = vector.multi_reduction <add>, %get3A_6, %reduce_sum3A [0] : vector<32x16384xf32> to vector<16384xf32>
    %mul3A = arith.mulf %get3A_6, %get3A_6 : vector<32x16384xf32>
    %reduce_sum3A_8 = arith.constant dense<0.000000e+00> : vector<16384xf32>
    %reduce_sum3A_9 = vector.multi_reduction <add>, %mul3A, %reduce_sum3A_8 [0] : vector<32x16384xf32> to vector<16384xf32>
    %mul3A_10 = arith.mulf %reduce_sum3A_7, %reduce_sum3A_7 : vector<16384xf32>
    %mul3A_11 = arith.constant 3.125000e-02 : f32
    %mul3A_12 = vector.broadcast %mul3A_11 : f32 to vector<16384xf32>
    %mul3A_13 = arith.mulf %mul3A_10, %mul3A_12 : vector<16384xf32>
    %sub3A = arith.subf %reduce_sum3A_9, %mul3A_13 : vector<16384xf32>
    %mul3A_14 = arith.constant 0.0322580636 : f32
    %mul3A_15 = vector.broadcast %mul3A_14 : f32 to vector<16384xf32>
    %mul3A_16 = arith.mulf %sub3A, %mul3A_15 : vector<16384xf32>
    %swap3A = arith.constant 0 : index
    %swap3A_17 = vector.load %arg6[%swap3A] : memref<16384xf32, #tpu.memory_space<vmem>>, vector<16384xf32>
    tpu.vector_store %arg6[%swap3A], %mul3A_16 {strides = array<i32>} : memref<16384xf32, #tpu.memory_space<vmem>>, vector<16384xf32>,
    %iota3A = tpu.iota {dimensions = array<i32: 1>} : vector<32x16512xi32>
    %add3A = arith.constant 499968 : i32
    %add3A_18 = vector.broadcast %add3A : i32 to vector<32x16512xi32>
    %add3A_19 = arith.addi %add3A_18, %iota3A : vector<32x16512xi32>
    %ge3A = arith.constant 500000 : i32
    %ge3A_20 = vector.broadcast %ge3A : i32 to vector<32x16512xi32>
    %ge3A_21 = arith.cmpi sge, %add3A_19, %ge3A_20 : vector<32x16512xi32>
    %lt3A = arith.constant 516384 : i32
    %lt3A_22 = vector.broadcast %lt3A : i32 to vector<32x16512xi32>
    %lt3A_23 = arith.cmpi slt, %add3A_19, %lt3A_22 : vector<32x16512xi32>
    %and3A = arith.andi %ge3A_21, %lt3A_23 : vector<32x16512xi1>
    %broadcast_in_dim3A = arith.constant 0.000000e+00 : f32
    %broadcast_in_dim3A_24 = vector.broadcast %broadcast_in_dim3A : f32 to vector<32x32xf32>
    %broadcast_in_dim3A_25 = arith.constant 0.000000e+00 : f32
    %broadcast_in_dim3A_26 = vector.broadcast %broadcast_in_dim3A_25 : f32 to vector<32x96xf32>
    %get3A_27 = arith.constant 0 : index
    %get3A_28 = arith.constant 0 : index
    %get3A_29 = vector.load %arg0[%get3A_27, %get3A_28] : memref<32x16384xf32, #tpu.memory_space<vmem>>, vector<32x16384xf32>
    %concatenate3A = tpu.concatenate %broadcast_in_dim3A_24, %get3A_29, %broadcast_in_dim3A_26 in 1 : vector<32x32xf32>, vector<32x16384xf32>, vector<32x96xf32> -> vector<32x16512xf32>
    %concatenate3A_30 = tpu.concatenate %broadcast_in_dim3A_24, %get3A_6, %broadcast_in_dim3A_26 in 1 : vector<32x32xf32>, vector<32x16384xf32>, vector<32x96xf32> -> vector<32x16512xf32>
    %dma_wait3A = arith.constant 0 : i32
    %dma_wait3A_31 = arith.constant 499968 : i32
    %dma_wait3A_32 = tpu.memref_slice %arg4[%dma_wait3A, %dma_wait3A_31] : memref<32x1000000xf32, #tpu.memory_space<hbm>> -> memref<32x16512xf32, #tpu.memory_space<hbm>>
    tpu.wait_dma2 semaphore(%arg9 : memref<!tpu.dma_semaphore, #tpu.memory_space<semaphore_mem>>) src(%dma_wait3A_32 : memref<32x16512xf32, #tpu.memory_space<hbm>>) dst(%arg7 : memref<32x16512xf32, #tpu.memory_space<vmem>>)
    %dma_wait3A_33 = arith.constant 0 : i32
    %dma_wait3A_34 = arith.constant 499968 : i32
    %dma_wait3A_35 = tpu.memref_slice %arg5[%dma_wait3A_33, %dma_wait3A_34] : memref<32x1000000xf32, #tpu.memory_space<hbm>> -> memref<32x16512xf32, #tpu.memory_space<hbm>>
    tpu.wait_dma2 semaphore(%arg10 : memref<!tpu.dma_semaphore, #tpu.memory_space<semaphore_mem>>) src(%dma_wait3A_35 : memref<32x16512xf32, #tpu.memory_space<hbm>>) dst(%arg8 : memref<32x16512xf32, #tpu.memory_space<vmem>>)
    %get3A_36 = arith.constant 0 : index
    %get3A_37 = arith.constant 0 : index
    %get3A_38 = vector.load %arg7[%get3A_36, %get3A_37] : memref<32x16512xf32, #tpu.memory_space<vmem>>, vector<32x16512xf32>
    %select_n3A = arith.select %and3A, %concatenate3A, %get3A_38 : vector<32x16512xi1>, vector<32x16512xf32>
    %swap3A_39 = arith.constant 0 : index
    %swap3A_40 = arith.constant 0 : index
    %swap3A_41 = vector.load %arg7[%swap3A_39, %swap3A_40] : memref<32x16512xf32, #tpu.memory_space<vmem>>, vector<32x16512xf32>
    tpu.vector_store %arg7[%swap3A_39, %swap3A_40], %select_n3A {strides = array<i32>} : memref<32x16512xf32, #tpu.memory_space<vmem>>, vector<32x16512xf32>,
    %get3A_42 = arith.constant 0 : index
    %get3A_43 = arith.constant 0 : index
    %get3A_44 = vector.load %arg8[%get3A_42, %get3A_43] : memref<32x16512xf32, #tpu.memory_space<vmem>>, vector<32x16512xf32>
    %select_n3A_45 = arith.select %and3A, %concatenate3A_30, %get3A_44 : vector<32x16512xi1>, vector<32x16512xf32>
    %swap3A_46 = arith.constant 0 : index
    %swap3A_47 = arith.constant 0 : index
    %swap3A_48 = vector.load %arg8[%swap3A_46, %swap3A_47] : memref<32x16512xf32, #tpu.memory_space<vmem>>, vector<32x16512xf32>
    tpu.vector_store %arg8[%swap3A_46, %swap3A_47], %select_n3A_45 {strides = array<i32>} : memref<32x16512xf32, #tpu.memory_space<vmem>>, vector<32x16512xf32>,
    %dma_start3A_49 = arith.constant 0 : i32
    %dma_start3A_50 = arith.constant 499968 : i32
    %dma_start3A_51 = tpu.memref_slice %arg4[%dma_start3A_49, %dma_start3A_50] : memref<32x1000000xf32, #tpu.memory_space<hbm>> -> memref<32x16512xf32, #tpu.memory_space<hbm>>
    tpu.enqueue_dma source(%arg7 : memref<32x16512xf32, #tpu.memory_space<vmem>>) target(%dma_start3A_51 : memref<32x16512xf32, #tpu.memory_space<hbm>>) target_semaphore(%arg9 : memref<!tpu.dma_semaphore, #tpu.memory_space<semaphore_mem>>)
    %dma_start3A_52 = arith.constant 0 : i32
    %dma_start3A_53 = arith.constant 499968 : i32
    %dma_start3A_54 = tpu.memref_slice %arg5[%dma_start3A_52, %dma_start3A_53] : memref<32x1000000xf32, #tpu.memory_space<hbm>> -> memref<32x16512xf32, #tpu.memory_space<hbm>>
    tpu.enqueue_dma source(%arg8 : memref<32x16512xf32, #tpu.memory_space<vmem>>) target(%dma_start3A_54 : memref<32x16512xf32, #tpu.memory_space<hbm>>) target_semaphore(%arg10 : memref<!tpu.dma_semaphore, #tpu.memory_space<semaphore_mem>>)
    %dma_wait3A_55 = arith.constant 0 : i32
    %dma_wait3A_56 = arith.constant 499968 : i32
    %dma_wait3A_57 = tpu.memref_slice %arg4[%dma_wait3A_55, %dma_wait3A_56] : memref<32x1000000xf32, #tpu.memory_space<hbm>> -> memref<32x16512xf32, #tpu.memory_space<hbm>>
    tpu.wait_dma2 semaphore(%arg9 : memref<!tpu.dma_semaphore, #tpu.memory_space<semaphore_mem>>) src(%arg7 : memref<32x16512xf32, #tpu.memory_space<vmem>>) dst(%dma_wait3A_57 : memref<32x16512xf32, #tpu.memory_space<hbm>>)
    %dma_wait3A_58 = arith.constant 0 : i32
    %dma_wait3A_59 = arith.constant 499968 : i32
    %dma_wait3A_60 = tpu.memref_slice %arg5[%dma_wait3A_58, %dma_wait3A_59] : memref<32x1000000xf32, #tpu.memory_space<hbm>> -> memref<32x16512xf32, #tpu.memory_space<hbm>>
    tpu.wait_dma2 semaphore(%arg10 : memref<!tpu.dma_semaphore, #tpu.memory_space<semaphore_mem>>) src(%arg8 : memref<32x16512xf32, #tpu.memory_space<vmem>>) dst(%dma_wait3A_60 : memref<32x16512xf32, #tpu.memory_space<hbm>>)
    return
  }
}

</mosaic_0001>

<sc_bundles>
// kernel: kernel.4.cloned.1.call-start
scs
__scs_entry_jumppad:
0x0: {  	(pc) =	sbr.rel $0x88, $3  }
0x1: {  	(tag) =	ssettag $0x0;
	lr =	simm.s32 $0x1  }
0x2: {  	[smem:$0x3F9B] =	sst lr;
	_ =	strace $0xD0000000  }
0x3: {  	_ = 	snop  }
0x4: {  	_ = 	snop  }
0x5: {  	_ = 	snop  }
0x6: {  	_ = 	snop  }
0x7: {  	_ = 	snop  }
__scs_overlays_trampoline_lowered:
0x8: {  	[smem:$0x3FAA] =	sst s0  }
0x9: {  	[smem:$0x3FAB] =	sst s1  }
0xa: {  	[smem:$0x3FAC] =	sst s2  }
0xb: {  	[smem:$0x3FAD] =	sst s3  }
0xc: {  	[smem:$0x3FAE] =	sst s4  }
0xd: {  	[smem:$0x3FAF] =	sst s5  }
0xe: {  	[smem:$0x3FB0] =	sst s6  }
0xf: {  	[smem:$0x3FB1] =	sst s7  }
0x10: {  	[smem:$0x3FB2] =	sst s8  }
0x11: {  	[smem:$0x3FB3] =	sst s9;
	s0 =	simm.s32 @!p0 $0x0  }
0x12: {  	s1 =	sld [smem:$0x3F99];
	s0 =	simm.s32 @p0 $0x1  }
0x13: {  	[smem:$0x3FB4] =	sst s0;
	s0 =	simm.s32 @!p1 $0x0  }
0x14: {  	s2 =	sld [smem:$0x3F98];
	s0 =	simm.s32 @p1 $0x1  }
0x15: {  	[smem:$0x3FB5] =	sst s0;
	s0 =	simm.s32 @!p2 $0x0  }
0x16: {  	s3 =	sld [smem:$0x3FDB];
	s0 =	simm.s32 @p2 $0x1  }
0x17: {  	s4 =	simm.s32 $0x1BF5;
	[smem:$0x3FB7] =	sst s0  }
0x18: {  	s0 =	sld [smem:$0x3F9A];
	_ =	swait.ge [sflag:s4], $0x0  }
0x19: {  	s7 =	sld [smem:$0x3F9B]  }
0x1a: {  	s8 =	sadd.s32 $0xFFFFE003, lr  }
0x1b: {  	s9 =	sadd.s32 $0xFFFFFEF7, lr;
	s5 =	simm.s32 $0xFFFFFFFF;
	p2 =	slt.u32 s8, $0xFFFFF086  }
0x1c: {  	p1 =	slt.u32 s9, $0xF7A;
	s5 =	simm.s32 @!p2 $0x0  }
0x1d: {  	s5 =	simm.s32 @p1 $0x1;
	p0 =	seq.s32 s7, s2  }
0x1e: {  	s7 =	smul.u32 @!p0 $0xF7A, s2;
	p2 =	seq.s32 @!p0 s5, $0x0  }
0x1f: {  	s9 =	smul.u32 $0xF7A, s1;
	s8 =	simm.s32 @!p0 $0x1BF5;
	p2 =	por !p2, p0  }
0x20: {  	[sflag:s8] =	ssyncset.s32 @!p0 $0xFFFFF086;
	s6 =	sadd.s32 @!p0 s3, s7;
	s7 =	simm.s32 @!p0 $0x108  }
0x21: {  	s3 =	sadd.s32 s3, s9;
	s6 =	sadd.s32 @!p0 $0x88, s6;
	s7 =	simm.s32 @p2 $0x1082  }
0x22: {  	[simem:s7], [sflag:s8] =	dma.local @!p0 [hbm:s6], $0xF7A  }
0x23: {  	s9 =	sor.u32 $0xD0000000, s2;
	s6 =	simm.s32 $0x108;
	_ =	swait.ge @!p0 [sflag:s8], $0x0  }
0x24: {  	s3 =	sadd.s32 $0x88, s3;
	s6 =	simm.s32 @!p1 $0x1082;
	[sflag:s4] =	ssyncset.s32 $0xFFFFF086  }
0x25: {  	[simem:s6], [sflag:s4] =	dma.local [hbm:s3], $0xF7A  }
0x26: {  	[smem:$0x3F9B] =	sst s1;
	(tag) =	ssettag s2;
	_ =	strace s9  }
0x27: {  	s1 =	sld [smem:$0x3FAB]  }
0x28: {  	s2 =	sld [smem:$0x3FAC]  }
0x29: {  	s4 =	sld [smem:$0x3FAE]  }
0x2a: {  	p0 =	seq.s32 s5, $0x0;
	s5 =	sld [smem:$0x3FAF]  }
0x2b: {  	s6 =	sld [smem:$0x3FB0]  }
0x2c: {  	s7 =	sld [smem:$0x3FB1]  }
0x2d: {  	s3 =	simm.s32 $0x108;
	s8 =	sld [smem:$0x3FB2]  }
0x2e: {  	s3 =	simm.s32 @!p0 $0x1082;
	s9 =	sld [smem:$0x3FB3]  }
0x2f: {  	lr =	sadd.s32 s0, s3;
	s0 =	sld [smem:$0x3FAA]  }
0x30: {  	s3 =	sld [smem:$0x3FAD]  }
0x31: {  	[smem:$0x3FB6] =	sst s10  }
0x32: {  	s10 =	sld [smem:$0x3FB4];
	_ =	sdelay $0x3  }
0x33: {  	p0 =	seq.s32 s10, $0x1;
	s10 =	sld [smem:$0x3FB6];
	_ =	sdelay $0x3  }
0x34: {  	[smem:$0x3FB6] =	sst s10  }
0x35: {  	s10 =	sld [smem:$0x3FB5];
	_ =	sdelay $0x3  }
0x36: {  	p1 =	seq.s32 s10, $0x1;
	s10 =	sld [smem:$0x3FB6];
	_ =	sdelay $0x3  }
0x37: {  	[smem:$0x3FB6] =	sst s10  }
0x38: {  	s10 =	sld [smem:$0x3FB7]  }
0x39: {  	_ = 	snop;
	(pc) =	sbr.ind lr, $3  }
0x3a: {  	_ = 	snop  }
0x3b: {  	_ = 	snop  }
0x3c: {  	p2 =	seq.s32 s10, $0x1;
	s10 =	sld [smem:$0x3FB6]  }
0x3d: {  	_ =	shalt  }
0x3e: {  	_ =	shalt  }
0x3f: {  	_ =	shalt  }
0x40: {  	_ =	shalt  }
0x41: {  	_ =	shalt  }
0x42: {  	_ =	shalt  }
0x43: {  	_ =	shalt  }
0x44: {  	_ =	shalt  }
0x45: {  	_ =	shalt  }
0x46: {  	_ =	shalt  }
0x47: {  	_ =	shalt  }
0x48: {  	_ =	shalt  }
0x49: {  	_ =	shalt  }
0x4a: {  	_ =	shalt  }
0x4b: {  	_ =	shalt  }
0x4c: {  	_ =	shalt  }
0x4d: {  	_ =	shalt  }
0x4e: {  	_ =	shalt  }
0x4f: {  	_ =	shalt  }
0x50: {  	_ =	shalt  }
0x51: {  	_ =	shalt  }
0x52: {  	_ =	shalt  }
0x53: {  	_ =	shalt  }
0x54: {  	_ =	shalt  }
0x55: {  	_ =	shalt  }
0x56: {  	_ =	shalt  }
0x57: {  	_ =	shalt  }
0x58: {  	_ =	shalt  }
0x59: {  	_ =	shalt  }
0x5a: {  	_ =	shalt  }
0x5b: {  	_ =	shalt  }
0x5c: {  	_ =	shalt  }
0x5d: {  	_ =	shalt  }
0x5e: {  	_ =	shalt  }
0x5f: {  	_ =	shalt  }
0x60: {  	_ =	shalt  }
0x61: {  	_ =	shalt  }
0x62: {  	_ =	shalt  }
0x63: {  	_ =	shalt  }
0x64: {  	_ =	shalt  }
0x65: {  	_ =	shalt  }
0x66: {  	_ =	shalt  }
0x67: {  	_ =	shalt  }
0x68: {  	_ =	shalt  }
0x69: {  	_ =	shalt  }
0x6a: {  	_ =	shalt  }
0x6b: {  	_ =	shalt  }
0x6c: {  	_ =	shalt  }
0x6d: {  	_ =	shalt  }
0x6e: {  	_ =	shalt  }
0x6f: {  	_ =	shalt  }
0x70: {  	_ =	shalt  }
0x71: {  	_ =	shalt  }
0x72: {  	_ =	shalt  }
0x73: {  	_ =	shalt  }
0x74: {  	_ =	shalt  }
0x75: {  	_ =	shalt  }
0x76: {  	_ =	shalt  }
0x77: {  	_ =	shalt  }
0x78: {  	_ =	shalt  }
0x79: {  	_ =	shalt  }
0x7a: {  	_ =	shalt  }
0x7b: {  	_ =	shalt  }
0x7c: {  	_ =	shalt  }
0x7d: {  	_ =	shalt  }
0x7e: {  	_ =	shalt  }
0x7f: {  	_ =	shalt  }
0x80: {  	_ =	shalt  }
0x81: {  	_ =	shalt  }
0x82: {  	_ =	shalt  }
0x83: {  	_ =	shalt  }
0x84: {  	_ =	shalt  }
0x85: {  	_ =	shalt  }
0x86: {  	_ =	shalt  }
0x87: {  	_ =	shalt  }
.Lfunc_end0:
.L_simem_size_0:
called_computation_lowered:
.L_overlay_start_0:
0x88: {  	s2 =	sld [smem:$0x3FD9]  }
0x89: {  	s3 =	sld [smem:$0x3FFE];
	_ =	sdelay $0x1  }
0x8a: {  	s1 =	srdreg.scid  }
0x8b: {  	s0 =	sand.u32 $0x1, s1  }
0x8c: {  	s14 =	sshll.u32 s0, $0xA;
	s2 =	sadd.s32 s3, s2  }
0x8d: {  	s2 =	sadd.s32 s2, s14  }
0x8e: {  	[smem:$0x3FC2] =	sst s2  }
0x8f: {  	_ = 	snop  }
0x90: {  	s2 =	sld [smem:$0x3FD0];
	_ =	sdelay $0x1  }
0x91: {  	s15 =	sld [smem:$0x3FC7]  }
0x92: {  	s5 =	simm.s32 $0xA;
	s6 =	simm.s32 $0x10;
	s4 =	sld [smem:$0x3FC4]  }
0x93: {  	[smem:s6], [sflag:s5] =	dma.local [hbm:s2], $0x1  }
0x94: {  	_ =	swait.eq [sflag:s5], $0x1  }
0x95: {  	[sflag:s5] =	ssyncset.done $0x0  }
0x96: {  	s16 =	sld [smem:$0x10];
	[sflag:s5] =	ssyncadd.s32 $0xFFFFFFFF  }
0x97: {  	s17 =	sld [smem:$0x13];
	(tm) =	ssettm $0x1  }
0x98: {  	s18 =	sld [smem:$0x3FFB];
	_ =	sdelay $0x3  }
0x99: {  	_ =	strace s18  }
0x9a: {  	s6 =	sld [smem:$0x3FFC];
	_ =	sdelay $0x3  }
0x9b: {  	_ =	strace s6  }
0x9c: {  	s6 =	sld [smem:$0x3FFD];
	_ =	sdelay $0x3  }
0x9d: {  	_ =	strace s6  }
0x9e: {  	_ =	strace $0x8FFFFFFF  }
0x9f: {  	s19 =	sld [smem:$0x3FDB];
	_ =	sdelay $0x1  }
0xa0: {  	s7 =	simm.s32 $_scs_section_size  }
0xa1: {  	s8 =	simm.s32 $_size__tile_overlayer_lowered;
	s9 =	simm.s32 $_tile_overlayer_lowered  }
0xa2: {  	s22 =	simm.s32 $0x1BFF;
	s21 =	sshll.u32 s9, $0x1;
	s6 =	sadd.s32 s7, s19  }
0xa3: {  	s10 =	simm.s32 $0x0;
	s20 =	sshll.u32 s8, $0x1;
	s8 =	sadd.s32 s21, s6  }
0xa4: {  	[timem:s10], [sflag:s22] =	dma.local [hbm:s8], s20  }
0xa5: {  	_ =	swait.ge [sflag:s22], s20  }
0xa6: {  	s7 =	ssub.s32 $0x0, s20;
	[sflag:s22] =	ssyncset.done $0x0  }
0xa7: {  	[sflag:s22] =	ssyncadd.s32 s7;
	_ =	sdelay $0x1  }
0xa8: {  	s23 =	simm.s32 $0x1B8B  }
0xa9: {  	_ =	swait.ge [sflag:s23], $0x1  }
0xaa: {  	[sflag:s23] =	ssyncset.done $0x0  }
0xab: {  	s25 =	simm.s32 $0x1B8E;
	s24 =	sld [smem:$0x3FFE];
	[sflag:s23] =	ssyncadd.s32 $0xFFFFFFFF  }
0xac: {  	s26 =	simm.s32 $execute0_lowered;
	[smem:$0x3FD2] =	sst s25  }
0xad: {  	s8 =	sshll.u32 s26, $0x1;
	_ =	strace $0x80000046;
	[dreg:$0x1] =	wrdreg $0xFFFFFFFF  }
0xae: {  	s28 =	simm.s32 $_size_execute0_lowered;
	s6 =	sadd.s32 s6, s8;
	[dreg:$0x0] =	wrdreg $0x0  }
0xaf: {  	s8 =	sshll.u32 s28, $0x1;
	[dreg:$0x2] =	wrdreg s6  }
0xb0: {  	[dreg:$0x3] =	wrdreg s8  }
0xb1: {  	[dreg:$0x4] =	wrdreg $0xC0  }
0xb2: {  	_ =	task [dreg:s10], $0x5FFFF  }
0xb3: {  	[dreg:$0x1] =	wrdreg $0xFFFFFFFF  }
0xb4: {  	[dreg:$0x0] =	wrdreg $0x60  }
0xb5: {  	[dreg:$0x2] =	wrdreg s24  }
0xb6: {  	[dreg:$0x3] =	wrdreg s4  }
0xb7: {  	[dreg:$0x4] =	wrdreg s15  }
0xb8: {  	[dreg:$0x5] =	wrdreg s16  }
0xb9: {  	[dreg:$0x6] =	wrdreg s17  }
0xba: {  	[dreg:$0x7] =	wrdreg $0x9  }
0xbb: {  	_ =	task.clear_ibuf [dreg:s10], $0x8FFFF;
	_ =	strace $0x90000046  }
0xbc: {  	s29 =	simm.s32 $0x9;
	_ =	strace $0x80000048  }
0xbd: {  	_ =	swait.ge [sflag:s29], $0x1  }
0xbe: {  	[sflag:s29] =	ssyncadd.s32 $0xFFFFFFFF  }
0xbf: {  	_ =	strace $0x90000048  }
0xc0: {  	_ =	sfence  }
0xc1: {  	s30 =	sld [smem:$0x0];
	_ =	sdelay $0x2  }
0xc2: {  	s31 =	sshll.u32 s1, $0xD;
	s1 =	sshrl.u32 s1, $0x2  }
0xc3: {  	s3 =	sand.u32 $0x4000, s31;
	s1 =	sadd.s32 s1, s30  }
0xc4: {  	s0 =	sor.u32 s3, s0;
	s1 =	sshll.u32 s1, $0x11  }
0xc5: {  	s0 =	sor.u32 s1, s0  }
0xc6: {  	s0 =	sadd.s32 $0x8F2B, s0  }
0xc7: {  	[sflag:s0] =	ssyncadd.remote.s32 $0x1  }
0xc8: {  	_ =	sfence.sel $0xFFFF  }
0xc9: {  	[dreg:$0x0] =	wrdreg $0xFFFFFFFF;
	(pc) =	sbr.abs _section_cstart, $3  }
0xca: {  	[dreg:$0x1] =	wrdreg $0xFFFFFFFF  }
0xcb: {  	_ =	task.clear_ibuf [dreg:s10], $0x2FFFF;
	_ =	strace $0x9FFFFFFF  }
0xcc: {  	(tm) =	ssettm $0x7FFFFFFF  }
0xcd: {  	_ =	shalt  }
tec
execute0_lowered:
.L_overlay_start_1:
0x0: {  	(tag) =	ssettag $0x1  }
0x1: {  	s0 =	rddreg [dreg:$0x0]  }
0x2: {  	s1 =	rddreg [dreg:$0x1]  }
0x3: {  	s3 =	rddreg [dreg:$0x2]  }
0x4: {  	s4 =	rddreg [dreg:$0x3]  }
0x5: {  	s6 =	rddreg [dreg:$0x4]  }
0x6: {  	s26 =	rddreg [dreg:$0x5]  }
0x7: {  	s2 =	simm.s32 $0x0;
	s5 =	srdreg.scid;
	s28 =	stileid.u32  }
0x8: {  	s17 =	simm.s32 $0x80;
	s11 =	simm.s32 $0x200;
	s20 =	simm.s32 $0x1200  }
0x9: {  	s22 =	simm.s32 $0x5200;
	s18 =	simm.s32 $0x100;
	s23 =	simm.s32 $0x2200  }
0xa: {  	s21 =	simm.s32 $0x180;
	s29 =	simm.s32 $0x7200;
	s15 =	simm.s32 $0x1  }
0xb: {  	s13 =	simm.s32 $0x20;
	s14 =	simm.s32 $0x40;
	p2 =	por $0x0, $0x0  }
0xc: {  	[smem:$0x7FF] =	sst s2;
	s5 =	sand.u32 $0x1, s5;
	s8 =	sshll.u32 s28, $0x1  }
0xd: {  	s7 =	sadd.s32 $0x1000, s0;
	s10 =	sor.u32 s5, s8;
	s5 =	ssub.s32 $0x2, s5  }
0xe: {  	s12 =	sadd.s32 $0xF43C00, s0;
	s16 =	sadd.s32 $0x1314600, s0;
	s9 =	sshrl.u32 s5, $0x1  }
0xf: {  	_ =	strace $0x80000047;
	s24 =	sshll.u32 s10, $0x6;
	s31 =	ssub.s32 s5, s9  }
0x10: {  	[dreg:$0x6] =	wrdreg s7;
	s1 =	sadd.s32 s1, s24;
	s0 =	smax.u32 s31, $0x1  }
0x11: {  	s8 =	sshll.u32 s10, $0xC;
	[dreg:$0x7] =	wrdreg s1;
	s1 =	sadd.s32 $0xFFFFFFFF, s0  }
0x12: {  	s30 =	smul.u32 $0xF40, s10;
	p0 =	sne.s32 s10, $0x10;
	p3 =	sne.s32 s1, $0x0  }
.Ltmp0:
0x13: {  	p1 =	sne.s32 s10, $0x1F;
	s10 =	simm.s32 $0x8200;
	(pc) =	sbr.rel @!p3 .LBB2_1-.Ltmp0, $4  }
0x14: {  	s8 =	sadd.s32 s4, s8;
	s4 =	sadd.s32 $0x1E800, s3;
	s9 =	simm.s32 $0x4200  }
0x15: {  	s24 =	simm.s32 $0x6200;
	s25 =	sadd.s32 $0x4, s8;
	s7 =	sadd.s32 s3, s30  }
0x16: {  	s5 =	sadd.s32 s6, s30;
	s3 =	sadd.s32 $0x1E800, s6;
	[dreg:$0x8] =	wrdreg s25  }
0x17: {  	s6 =	simm.s32 $0x2;
	s25 =	simm.s32 $0x3200;
	s19 =	rddreg [dreg:$0x7]  }
0x18: {  	[tilespmem:s2], [sflag:$0x2] =	stream.linear.gather [hbm4b:s19+s2], $0x200, $0x38;
	[tilespmem:$0xFE40] =	vst v63  }
0x19: {  	_ =	swait.ge [sflag:s6], $0x200  }
0x1a: {  	[sflag:s6] =	ssyncset.done $0x0  }
0x1b: {  	[sflag:s6] =	ssyncadd.s32 $0xFFFFFE00  }
0x1c: {  	[tilespmem:s11], [sflag:$0x1] =	stream.indirect.gather [hbm4b:s12+s17], $0x20, s2, s17, $0xb8;
	[tilespmem:$0xFE40] =	vst v63  }
0x1d: {  	_ = 	snop  }
0x1e: {  	[tilespmem:s9], [sflag:$0x1] =	stream.indirect.gather [hbm4b:s16+s17], $0x20, s2, s17, $0xb8;
	[tilespmem:$0xFE40] =	vst v63  }
0x1f: {  	_ = 	snop  }
0x20: {  	[tilespmem:s20], [sflag:$0x1] =	stream.indirect.gather [hbm4b:s12+s17], $0x20, s17, s17, $0xb8;
	[tilespmem:$0xFE40] =	vst v63  }
0x21: {  	_ = 	snop  }
0x22: {  	[tilespmem:s22], [sflag:$0x1] =	stream.indirect.gather [hbm4b:s16+s17], $0x20, s17, s17, $0xb8;
	[tilespmem:$0xFE40] =	vst v63  }
0x23: {  	_ = 	snop  }
0x24: {  	[tilespmem:s23], [sflag:$0x1] =	stream.indirect.gather [hbm4b:s12+s17], $0x20, s18, s17, $0xb8;
	[tilespmem:$0xFE40] =	vst v63  }
0x25: {  	_ = 	snop  }
0x26: {  	[tilespmem:s24], [sflag:$0x1] =	stream.indirect.gather [hbm4b:s16+s17], $0x20, s18, s17, $0xb8;
	[tilespmem:$0xFE40] =	vst v63  }
0x27: {  	_ = 	snop  }
0x28: {  	[tilespmem:s25], [sflag:$0x1] =	stream.indirect.gather [hbm4b:s12+s17], $0x20, s21, s17, $0xb8;
	[tilespmem:$0xFE40] =	vst v63  }
0x29: {  	_ = 	snop  }
0x2a: {  	[tilespmem:s29], [sflag:$0x1] =	stream.indirect.gather [hbm4b:s16+s17], $0x20, s21, s17, $0xb8;
	[tilespmem:$0xFE40] =	vst v63  }
0x2b: {  	_ =	swait.ge [sflag:s15], $0x1000  }
0x2c: {  	[sflag:s15] =	ssyncset.done $0x0  }
0x2d: {  	[sflag:s15] =	ssyncadd.s32 $0xFFFFF000  }
0x2e: {  	_ =	swait.ge [sflag:s15], $0x1000  }
0x2f: {  	[sflag:s15] =	ssyncset.done $0x0  }
0x30: {  	[sflag:s15] =	ssyncadd.s32 $0xFFFFF000  }
0x31: {  	_ =	swait.ge [sflag:s15], $0x1000  }
0x32: {  	[sflag:s15] =	ssyncset.done $0x0  }
0x33: {  	[sflag:s15] =	ssyncadd.s32 $0xFFFFF000  }
0x34: {  	_ =	swait.ge [sflag:s15], $0x1000  }
0x35: {  	[sflag:s15] =	ssyncset.done $0x0  }
0x36: {  	[sflag:s15] =	ssyncadd.s32 $0xFFFFF000  }
0x37: {  	_ =	swait.ge [sflag:s15], $0x1000  }
0x38: {  	[sflag:s15] =	ssyncset.done $0x0  }
0x39: {  	[sflag:s15] =	ssyncadd.s32 $0xFFFFF000  }
0x3a: {  	_ =	swait.ge [sflag:s15], $0x1000  }
0x3b: {  	[sflag:s15] =	ssyncset.done $0x0  }
0x3c: {  	[sflag:s15] =	ssyncadd.s32 $0xFFFFF000  }
0x3d: {  	_ =	swait.ge [sflag:s15], $0x1000  }
0x3e: {  	[sflag:s15] =	ssyncset.done $0x0  }
0x3f: {  	[sflag:s15] =	ssyncadd.s32 $0xFFFFF000  }
0x40: {  	_ =	swait.ge [sflag:s15], $0x1000  }
0x41: {  	[sflag:s15] =	ssyncset.done $0x0  }
0x42: {  	[sflag:s15] =	ssyncadd.s32 $0xFFFFF000  }
0x43: {  	[hbm4b:s8+s13] =	stream.strided.scatter [tilespmem:s11], [sflag:$0x2], $0x4000, s14, s13, $0x38;
	[tilespmem:$0xFE40] =	vst v63  }
0x44: {  	_ =	swait.ge [sflag:s6], $0x4000  }
0x45: {  	[sflag:s6] =	ssyncset.done $0x0  }
0x46: {  	s0 =	rddreg [dreg:$0x8];
	[sflag:s6] =	ssyncadd.s32 $0xFFFFC000  }
0x47: {  	[hbm4b:s0+s13] =	stream.strided.scatter [tilespmem:s9], [sflag:$0x2], $0x4000, s14, s13, $0x38;
	[tilespmem:$0xFE40] =	vst v63  }
0x48: {  	_ =	swait.ge [sflag:s6], $0x4000  }
0x49: {  	[sflag:s6] =	ssyncset.done $0x0  }
0x4a: {  	[sflag:s6] =	ssyncadd.s32 $0xFFFFC000  }
0x4b: {  	[tilespmem:s10], [sflag:$0x2] =	stream.linear.gather [hbm4b:s7+s2], $0x7A00, $0x38;
	[tilespmem:$0xFE40] =	vst v63  }
0x4c: {  	_ =	swait.ge [sflag:s6], $0x7A00  }
0x4d: {  	s26 =	simm.s32 @!p0 $0x2;
	s19 =	simm.s32 @!p0 $0x0;
	[sflag:s6] =	ssyncset.done $0x0  }
0x4e: {  	s29 =	simm.s32 @!p0 $0x8320;
	s0 =	rddreg [dreg:$0x6];
	[sflag:s6] =	ssyncadd.s32 $0xFFFF8600  }
0x4f: {  	[tilespmem:s29], [sflag:$0x2] =	stream.linear.gather @!p0 [hbm4b:s0+s19], $0x4000, $0x38;
	[tilespmem:$0xFE40] =	vst v63  }
0x50: {  	_ =	swait.ge @!p0 [sflag:s26], $0x4000  }
0x51: {  	[sflag:s26] =	ssyncset.done @!p0 $0x0  }
0x52: {  	[sflag:s26] =	ssyncadd.s32 @!p0 $0xFFFFC000  }
0x53: {  	[hbm4b:s5+s2] =	stream.linear.scatter [tilespmem:s10], [sflag:$0x2], $0x7A00, $0x38;
	[tilespmem:$0xFE40] =	vst v63  }
0x54: {  	_ =	swait.ge [sflag:s6], $0x7A00  }
0x55: {  	s30 =	simm.s32 @!p1 $0x2;
	s31 =	simm.s32 @!p1 $0x0;
	[sflag:s6] =	ssyncset.done $0x0  }
0x56: {  	s1 =	sadd.s32 $0xFFFFFFFF, s1;
	s0 =	simm.s32 @!p1 $0xFC00;
	[sflag:s6] =	ssyncadd.s32 $0xFFFF8600  }
0x57: {  	[tilespmem:s0], [sflag:$0x2] =	stream.linear.gather @!p1 [hbm4b:s4+s31], $0x240, $0x38;
	[tilespmem:$0xFE40] =	vst v63  }
0x58: {  	s28 =	simm.s32 $0x7200;
	p3 =	sne.s32 s1, $0x0;
	_ =	swait.ge @!p1 [sflag:s30], $0x240  }
.Ltmp1:
0x59: {  	p2 =	por $0x1, $0x1;
	[sflag:s30] =	ssyncset.done @!p1 $0x0;
	(pc) =	sbr.rel @!p3 .LBB2_3-.Ltmp1, $4  }
0x5a: {  	s20 =	simm.s32 @!p0 $0x0;
	s22 =	simm.s32 $0x5200;
	[sflag:s30] =	ssyncadd.s32 @!p1 $0xFFFFFDC0  }
0x5b: {  	[hbm4b:s3+s31] =	stream.linear.scatter @!p1 [tilespmem:s0], [sflag:$0x2], $0x240, $0x38;
	[tilespmem:$0xFE40] =	vst v63  }
0x5c: {  	s23 =	simm.s32 $0x2200;
	s24 =	simm.s32 $0x6200;
	_ =	swait.ge @!p1 [sflag:s30], $0x240  }
0x5d: {  	s25 =	simm.s32 $0x3200;
	s19 =	rddreg [dreg:$0x7];
	[sflag:s30] =	ssyncset.done @!p1 $0x0  }
.LBB2_4:
0x5e: {  	[sflag:s30] =	ssyncadd.s32 @!p1 $0xFFFFFDC0  }
0x5f: {  	[tilespmem:s2], [sflag:$0x2] =	stream.linear.gather [hbm4b:s19+s2], $0x200, $0x38;
	[tilespmem:$0xFE40] =	vst v63  }
0x60: {  	_ =	swait.ge [sflag:s6], $0x200  }
0x61: {  	[sflag:s6] =	ssyncset.done $0x0  }
0x62: {  	[sflag:s6] =	ssyncadd.s32 $0xFFFFFE00  }
0x63: {  	[tilespmem:s11], [sflag:$0x1] =	stream.indirect.gather [hbm4b:s12+s17], $0x20, s2, s17, $0xb8;
	[tilespmem:$0xFE40] =	vst v63  }
0x64: {  	_ = 	snop  }
0x65: {  	[tilespmem:s9], [sflag:$0x1] =	stream.indirect.gather [hbm4b:s16+s17], $0x20, s2, s17, $0xb8;
	[tilespmem:$0xFE40] =	vst v63  }
0x66: {  	s19 =	simm.s32 $0x1200  }
0x67: {  	[tilespmem:s19], [sflag:$0x1] =	stream.indirect.gather [hbm4b:s12+s17], $0x20, s17, s17, $0xb8;
	[tilespmem:$0xFE40] =	vst v63  }
0x68: {  	_ = 	snop  }
0x69: {  	[tilespmem:s22], [sflag:$0x1] =	stream.indirect.gather [hbm4b:s16+s17], $0x20, s17, s17, $0xb8;
	[tilespmem:$0xFE40] =	vst v63  }
0x6a: {  	_ = 	snop  }
0x6b: {  	[tilespmem:s23], [sflag:$0x1] =	stream.indirect.gather [hbm4b:s12+s17], $0x20, s18, s17, $0xb8;
	[tilespmem:$0xFE40] =	vst v63  }
0x6c: {  	_ = 	snop  }
0x6d: {  	[tilespmem:s24], [sflag:$0x1] =	stream.indirect.gather [hbm4b:s16+s17], $0x20, s18, s17, $0xb8;
	[tilespmem:$0xFE40] =	vst v63  }
0x6e: {  	_ = 	snop  }
0x6f: {  	[tilespmem:s25], [sflag:$0x1] =	stream.indirect.gather [hbm4b:s12+s17], $0x20, s21, s17, $0xb8;
	[tilespmem:$0xFE40] =	vst v63  }
0x70: {  	_ = 	snop  }
0x71: {  	[tilespmem:s28], [sflag:$0x1] =	stream.indirect.gather [hbm4b:s16+s17], $0x20, s21, s17, $0xb8;
	[tilespmem:$0xFE40] =	vst v63  }
0x72: {  	_ =	swait.ge [sflag:s15], $0x1000  }
0x73: {  	[sflag:s15] =	ssyncset.done $0x0  }
0x74: {  	[sflag:s15] =	ssyncadd.s32 $0xFFFFF000  }
0x75: {  	_ =	swait.ge [sflag:s15], $0x1000  }
0x76: {  	[sflag:s15] =	ssyncset.done $0x0  }
0x77: {  	[sflag:s15] =	ssyncadd.s32 $0xFFFFF000  }
0x78: {  	_ =	swait.ge [sflag:s15], $0x1000  }
0x79: {  	[sflag:s15] =	ssyncset.done $0x0  }
0x7a: {  	[sflag:s15] =	ssyncadd.s32 $0xFFFFF000  }
0x7b: {  	_ =	swait.ge [sflag:s15], $0x1000  }
0x7c: {  	[sflag:s15] =	ssyncset.done $0x0  }
0x7d: {  	[sflag:s15] =	ssyncadd.s32 $0xFFFFF000  }
0x7e: {  	_ =	swait.ge [sflag:s15], $0x1000  }
0x7f: {  	[sflag:s15] =	ssyncset.done $0x0  }
0x80: {  	[sflag:s15] =	ssyncadd.s32 $0xFFFFF000  }
0x81: {  	_ =	swait.ge [sflag:s15], $0x1000  }
0x82: {  	[sflag:s15] =	ssyncset.done $0x0  }
0x83: {  	[sflag:s15] =	ssyncadd.s32 $0xFFFFF000  }
0x84: {  	_ =	swait.ge [sflag:s15], $0x1000  }
0x85: {  	[sflag:s15] =	ssyncset.done $0x0  }
0x86: {  	[sflag:s15] =	ssyncadd.s32 $0xFFFFF000  }
0x87: {  	_ =	swait.ge [sflag:s15], $0x1000  }
0x88: {  	[sflag:s15] =	ssyncset.done $0x0  }
0x89: {  	[sflag:s15] =	ssyncadd.s32 $0xFFFFF000  }
0x8a: {  	[hbm4b:s8+s13] =	stream.strided.scatter [tilespmem:s11], [sflag:$0x2], $0x4000, s14, s13, $0x38;
	[tilespmem:$0xFE40] =	vst v63  }
0x8b: {  	_ =	swait.ge [sflag:s6], $0x4000  }
0x8c: {  	[sflag:s6] =	ssyncset.done $0x0  }
0x8d: {  	s19 =	rddreg [dreg:$0x8];
	[sflag:s6] =	ssyncadd.s32 $0xFFFFC000  }
0x8e: {  	[hbm4b:s19+s13] =	stream.strided.scatter [tilespmem:s9], [sflag:$0x2], $0x4000, s14, s13, $0x38;
	[tilespmem:$0xFE40] =	vst v63  }
0x8f: {  	_ =	swait.ge [sflag:s6], $0x4000  }
0x90: {  	[sflag:s6] =	ssyncset.done $0x0  }
0x91: {  	[sflag:s6] =	ssyncadd.s32 $0xFFFFC000  }
0x92: {  	[tilespmem:s10], [sflag:$0x2] =	stream.linear.gather [hbm4b:s7+s2], $0x7A00, $0x38;
	[tilespmem:$0xFE40] =	vst v63  }
0x93: {  	_ =	swait.ge [sflag:s6], $0x7A00  }
0x94: {  	[sflag:s6] =	ssyncset.done $0x0  }
0x95: {  	s19 =	rddreg [dreg:$0x6];
	[sflag:s6] =	ssyncadd.s32 $0xFFFF8600  }
0x96: {  	[tilespmem:s29], [sflag:$0x2] =	stream.linear.gather @!p0 [hbm4b:s19+s20], $0x4000, $0x38;
	[tilespmem:$0xFE40] =	vst v63  }
0x97: {  	_ =	swait.ge @!p0 [sflag:s26], $0x4000  }
0x98: {  	[sflag:s26] =	ssyncset.done @!p0 $0x0  }
0x99: {  	[sflag:s26] =	ssyncadd.s32 @!p0 $0xFFFFC000  }
0x9a: {  	[hbm4b:s5+s2] =	stream.linear.scatter [tilespmem:s10], [sflag:$0x2], $0x7A00, $0x38;
	[tilespmem:$0xFE40] =	vst v63  }
0x9b: {  	_ =	swait.ge [sflag:s6], $0x7A00  }
0x9c: {  	[sflag:s6] =	ssyncset.done $0x0  }
0x9d: {  	s1 =	sadd.s32 $0xFFFFFFFF, s1;
	[sflag:s6] =	ssyncadd.s32 $0xFFFF8600  }
0x9e: {  	[tilespmem:s0], [sflag:$0x2] =	stream.linear.gather @!p1 [hbm4b:s4+s31], $0x240, $0x38;
	[tilespmem:$0xFE40] =	vst v63  }
0x9f: {  	p3 =	sne.s32 s1, $0x0;
	_ =	swait.ge @!p1 [sflag:s30], $0x240  }
.Ltmp2:
0xa0: {  	[sflag:s30] =	ssyncset.done @!p1 $0x0;
	(pc) =	sbr.rel @p3 .LBB2_4-.Ltmp2, $4  }
0xa1: {  	[sflag:s30] =	ssyncadd.s32 @!p1 $0xFFFFFDC0  }
0xa2: {  	[hbm4b:s3+s31] =	stream.linear.scatter @!p1 [tilespmem:s0], [sflag:$0x2], $0x240, $0x38;
	[tilespmem:$0xFE40] =	vst v63  }
0xa3: {  	_ =	swait.ge @!p1 [sflag:s30], $0x240  }
0xa4: {  	s19 =	rddreg [dreg:$0x7];
	[sflag:s30] =	ssyncset.done @!p1 $0x0  }
0xa5: {  	s26 =	rddreg [dreg:$0x5];
	s28 =	stileid.u32  }
0xa6: {  	s20 =	simm.s32 $0x1200;
	s22 =	simm.s32 $0x5200;
	s23 =	simm.s32 $0x2200  }
0xa7: {  	s24 =	simm.s32 $0x6200;
	s25 =	simm.s32 $0x3200;
	s29 =	simm.s32 $0x7200  }
.LBB2_6:
0xa8: {  	p2 =	por p1, !p2  }
0xa9: {  	[sflag:s30] =	ssyncadd.s32 @!p2 $0xFFFFFDC0  }
0xaa: {  	[tilespmem:s2], [sflag:$0x2] =	stream.linear.gather [hbm4b:s19+s2], $0x200, $0x38;
	[tilespmem:$0xFE40] =	vst v63  }
0xab: {  	_ =	swait.ge [sflag:s6], $0x200  }
0xac: {  	[sflag:s6] =	ssyncset.done $0x0  }
0xad: {  	[sflag:s6] =	ssyncadd.s32 $0xFFFFFE00  }
0xae: {  	[tilespmem:s11], [sflag:$0x1] =	stream.indirect.gather [hbm4b:s12+s17], $0x20, s2, s17, $0xb8;
	[tilespmem:$0xFE40] =	vst v63  }
0xaf: {  	_ = 	snop  }
0xb0: {  	[tilespmem:s9], [sflag:$0x1] =	stream.indirect.gather [hbm4b:s16+s17], $0x20, s2, s17, $0xb8;
	[tilespmem:$0xFE40] =	vst v63  }
0xb1: {  	_ = 	snop  }
0xb2: {  	[tilespmem:s20], [sflag:$0x1] =	stream.indirect.gather [hbm4b:s12+s17], $0x20, s17, s17, $0xb8;
	[tilespmem:$0xFE40] =	vst v63  }
0xb3: {  	_ = 	snop  }
0xb4: {  	[tilespmem:s22], [sflag:$0x1] =	stream.indirect.gather [hbm4b:s16+s17], $0x20, s17, s17, $0xb8;
	[tilespmem:$0xFE40] =	vst v63  }
0xb5: {  	_ = 	snop  }
0xb6: {  	[tilespmem:s23], [sflag:$0x1] =	stream.indirect.gather [hbm4b:s12+s17], $0x20, s18, s17, $0xb8;
	[tilespmem:$0xFE40] =	vst v63  }
0xb7: {  	_ = 	snop  }
0xb8: {  	[tilespmem:s24], [sflag:$0x1] =	stream.indirect.gather [hbm4b:s16+s17], $0x20, s18, s17, $0xb8;
	[tilespmem:$0xFE40] =	vst v63  }
0xb9: {  	_ = 	snop  }
0xba: {  	[tilespmem:s25], [sflag:$0x1] =	stream.indirect.gather [hbm4b:s12+s17], $0x20, s21, s17, $0xb8;
	[tilespmem:$0xFE40] =	vst v63  }
0xbb: {  	_ = 	snop  }
0xbc: {  	[tilespmem:s29], [sflag:$0x1] =	stream.indirect.gather [hbm4b:s16+s17], $0x20, s21, s17, $0xb8;
	[tilespmem:$0xFE40] =	vst v63  }
0xbd: {  	_ =	swait.ge [sflag:s15], $0x1000  }
0xbe: {  	[sflag:s15] =	ssyncset.done $0x0  }
0xbf: {  	[sflag:s15] =	ssyncadd.s32 $0xFFFFF000  }
0xc0: {  	_ =	swait.ge [sflag:s15], $0x1000  }
0xc1: {  	[sflag:s15] =	ssyncset.done $0x0  }
0xc2: {  	[sflag:s15] =	ssyncadd.s32 $0xFFFFF000  }
0xc3: {  	_ =	swait.ge [sflag:s15], $0x1000  }
0xc4: {  	[sflag:s15] =	ssyncset.done $0x0  }
0xc5: {  	[sflag:s15] =	ssyncadd.s32 $0xFFFFF000  }
0xc6: {  	_ =	swait.ge [sflag:s15], $0x1000  }
0xc7: {  	[sflag:s15] =	ssyncset.done $0x0  }
0xc8: {  	[sflag:s15] =	ssyncadd.s32 $0xFFFFF000  }
0xc9: {  	_ =	swait.ge [sflag:s15], $0x1000  }
0xca: {  	[sflag:s15] =	ssyncset.done $0x0  }
0xcb: {  	[sflag:s15] =	ssyncadd.s32 $0xFFFFF000  }
0xcc: {  	_ =	swait.ge [sflag:s15], $0x1000  }
0xcd: {  	[sflag:s15] =	ssyncset.done $0x0  }
0xce: {  	[sflag:s15] =	ssyncadd.s32 $0xFFFFF000  }
0xcf: {  	_ =	swait.ge [sflag:s15], $0x1000  }
0xd0: {  	[sflag:s15] =	ssyncset.done $0x0  }
0xd1: {  	[sflag:s15] =	ssyncadd.s32 $0xFFFFF000  }
0xd2: {  	_ =	swait.ge [sflag:s15], $0x1000  }
0xd3: {  	[sflag:s15] =	ssyncset.done $0x0  }
0xd4: {  	[sflag:s15] =	ssyncadd.s32 $0xFFFFF000  }
0xd5: {  	[hbm4b:s8+s13] =	stream.strided.scatter [tilespmem:s11], [sflag:$0x2], $0x4000, s14, s13, $0x38;
	[tilespmem:$0xFE40] =	vst v63  }
0xd6: {  	_ =	swait.ge [sflag:s6], $0x4000  }
0xd7: {  	[sflag:s6] =	ssyncset.done $0x0  }
0xd8: {  	s0 =	rddreg [dreg:$0x8];
	[sflag:s6] =	ssyncadd.s32 $0xFFFFC000  }
0xd9: {  	[hbm4b:s0+s13] =	stream.strided.scatter [tilespmem:s9], [sflag:$0x2], $0x4000, s14, s13, $0x38;
	[tilespmem:$0xFE40] =	vst v63  }
0xda: {  	_ =	swait.ge [sflag:s6], $0x4000  }
0xdb: {  	[sflag:s6] =	ssyncset.done $0x0  }
0xdc: {  	[sflag:s6] =	ssyncadd.s32 $0xFFFFC000  }
0xdd: {  	[tilespmem:s10], [sflag:$0x2] =	stream.linear.gather [hbm4b:s7+s2], $0x7A00, $0x38;
	[tilespmem:$0xFE40] =	vst v63  }
0xde: {  	_ =	swait.ge [sflag:s6], $0x7A00  }
0xdf: {  	s1 =	simm.s32 @!p0 $0x0;
	[sflag:s6] =	ssyncset.done $0x0  }
0xe0: {  	s7 =	simm.s32 @!p0 $0x8320;
	s0 =	rddreg [dreg:$0x6];
	[sflag:s6] =	ssyncadd.s32 $0xFFFF8600  }
0xe1: {  	[tilespmem:s7], [sflag:$0x2] =	stream.linear.gather @!p0 [hbm4b:s0+s1], $0x4000, $0x38;
	[tilespmem:$0xFE40] =	vst v63  }
0xe2: {  	s0 =	simm.s32 @!p0 $0x2  }
0xe3: {  	_ =	swait.ge @!p0 [sflag:s0], $0x4000  }
0xe4: {  	[sflag:s0] =	ssyncset.done @!p0 $0x0  }
0xe5: {  	[sflag:s0] =	ssyncadd.s32 @!p0 $0xFFFFC000  }
0xe6: {  	[hbm4b:s5+s2] =	stream.linear.scatter [tilespmem:s10], [sflag:$0x2], $0x7A00, $0x38;
	[tilespmem:$0xFE40] =	vst v63  }
0xe7: {  	_ =	swait.ge [sflag:s6], $0x7A00  }
0xe8: {  	s1 =	simm.s32 @!p1 $0xFC00;
	[sflag:s6] =	ssyncset.done $0x0  }
0xe9: {  	s0 =	simm.s32 @!p1 $0x0;
	s2 =	simm.s32 @!p1 $0x2;
	[sflag:s6] =	ssyncadd.s32 $0xFFFF8600  }
0xea: {  	[tilespmem:s1], [sflag:$0x2] =	stream.linear.gather @!p1 [hbm4b:s4+s0], $0x240, $0x38;
	[tilespmem:$0xFE40] =	vst v63  }
0xeb: {  	_ =	swait.ge @!p1 [sflag:s2], $0x240  }
0xec: {  	[sflag:s2] =	ssyncset.done @!p1 $0x0  }
0xed: {  	[sflag:s2] =	ssyncadd.s32 @!p1 $0xFFFFFDC0  }
0xee: {  	[hbm4b:s3+s0] =	stream.linear.scatter @!p1 [tilespmem:s1], [sflag:$0x2], $0x240, $0x38;
	[tilespmem:$0xFE40] =	vst v63  }
0xef: {  	_ =	swait.ge @!p1 [sflag:s2], $0x240  }
0xf0: {  	[sflag:s2] =	ssyncset.done @!p1 $0x0  }
0xf1: {  	[sflag:s2] =	ssyncadd.s32 @!p1 $0xFFFFFDC0  }
0xf2: {  	_ =	sfence.sel $0x180000  }
0xf3: {  	[bflag:$0x0] =	sbarrier.arrive $0xFFFF  }
0xf4: {  	p0 =	sne.s32 s28, $0x0;
	_ =	strace $0x90000047  }
0xf5: {  	s0 =	sadd.s32 @!p0 $0x100000, s26;
	[bflag:$0x2] =	sbarrier.arrive $0xFFFF  }
0xf6: {  	[sflag:s0] =	ssyncadd.tile.s32 @!p0 $0x1;
	_ =	shalt  }
.LBB2_1:
.Ltmp3:
0xf7: {  	(pc) =	sbr.rel .LBB2_6-.Ltmp3, $2  }
0xf8: {  	_ =	sdelay $0x2  }
0xf9: {  	_ = 	snop  }
.LBB2_3:
.Ltmp4:
0xfa: {  	(pc) =	sbr.rel .LBB2_6-.Ltmp4, $4  }
0xfb: {  	_ = 	snop  }
0xfc: {  	s26 =	rddreg [dreg:$0x5];
	s28 =	stileid.u32  }
0xfd: {  	s20 =	simm.s32 $0x1200;
	s22 =	simm.s32 $0x5200;
	s23 =	simm.s32 $0x2200  }
0xfe: {  	s24 =	simm.s32 $0x6200;
	s25 =	simm.s32 $0x3200;
	s29 =	simm.s32 $0x7200  }
.Lfunc_end2:
_tile_overlayer_lowered:
.L_overlay_start_2:
0xff: {  	(tag) =	ssettag $0x2  }
0x100: {  	s0 =	rddreg [dreg:$0x0];
	s2 =	stileid.u32  }
0x101: {  	s1 =	rddreg [dreg:$0x1];
	p0 =	sne.s32 s2, $0x0  }
0x102: {  	s3 =	rddreg [dreg:$0x2];
	[bflag:$0x3] =	sbarrier.arrive $0xFFFF;
	s2 =	simm.s32 @!p0 $0x1C02  }
0x103: {  	[timem:s3], [sflag:s2] =	dma.local @!p0 [hbm:s0], s1  }
0x104: {  	s0 =	simm.s32 @!p0 $0x2  }
0x105: {  	_ =	swait.ge @!p0 [sflag:s0], s1  }
0x106: {  	s1 =	ssub.s32 @!p0 $0x0, s1;
	[sflag:s0] =	ssyncset.done @!p0 $0x0  }
0x107: {  	[sflag:s0] =	ssyncadd.s32 @!p0 s1  }
0x108: {  	[bflag:$0x3] =	sbarrier.arrive $0xFFFF  }
0x109: {  	_ =	shalt  }

</sc_bundles>
